<compile_context>
chip_gen: v7x
topology: tpu7x:2x2x1
jax: 0.10.2.dev20260603
libtpu: 0.0.44.dev20260713+nightly
codegen_flags: <defaults>
</compile_context>

<pallas_src>
import functools

import jax
import jax.numpy as jnp
from jax import lax
from jax.experimental import pallas as pl
from jax.experimental.pallas import tpu as pltpu
from jax.experimental.pallas import tpu_sc as plsc

_B = 16384
_NC, _NS, _L = 1, 16, 16
_NW = _NC * _NS
_BPW = _B // _NW
_G = _BPW // _L
_D = 21
_WROWS, _DROWS, _E = 24, 42, 8

_NORM = {
    'lngs': (116.35, 0.22),
    'lats': (39.92, 0.18),
    'temperature': (12.5, 9.3),
    'dist_gap': (1.2, 0.8),
    'dist': (18.7, 10.4),
}

_mesh = plsc.VectorSubcoreMesh(core_axis_name="c", subcore_axis_name="s", num_cores=1)


@functools.partial(
    pl.kernel,
    out_type=jax.ShapeDtypeStruct((_D, _B), jnp.float32),
    mesh=_mesh,
    compiler_params=pltpu.CompilerParams(
        needs_layout_passes=False,
        skip_device_barrier=True,
        disable_bounds_checks=True,
    ),
    scratch_types=[
        pltpu.VMEM((_BPW,), jnp.float32),
        pltpu.VMEM((_BPW,), jnp.float32),
        pltpu.VMEM((_BPW,), jnp.float32),
        pltpu.VMEM((_BPW,), jnp.float32),
        pltpu.VMEM((_BPW,), jnp.float32),
        pltpu.VMEM((_BPW,), jnp.int32),
        pltpu.VMEM((_BPW,), jnp.int32),
        pltpu.VMEM((_E, _WROWS), jnp.float32),
        pltpu.VMEM((_E, _DROWS), jnp.float32),
        pltpu.VMEM((_D, _BPW), jnp.float32),
        pltpu.SemaphoreType.DMA,
    ],
)
def _net_sc(lngs_h, lats_h, w_h, d_h, temp_h, gap_h, dist_h, wt_h, dt_h,
            out_h,
            lngs_v, lats_v, temp_v, gap_v, dist_v, w_v, d_v, wt_v, dt_v,
            out_v, sem):
    wid = lax.axis_index("s") * _NC + lax.axis_index("c")
    base = wid * _BPW
    sl = pl.ds(base, _BPW)
    copies = [
        pltpu.async_copy(lngs_h.at[sl], lngs_v, sem),
        pltpu.async_copy(lats_h.at[sl], lats_v, sem),
        pltpu.async_copy(temp_h.at[sl], temp_v, sem),
        pltpu.async_copy(gap_h.at[sl], gap_v, sem),
        pltpu.async_copy(dist_h.at[sl], dist_v, sem),
        pltpu.async_copy(w_h.at[sl], w_v, sem),
        pltpu.async_copy(d_h.at[sl], d_v, sem),
        pltpu.async_copy(wt_h, wt_v, sem),
        pltpu.async_copy(dt_h, dt_v, sem),
    ]
    for c in copies:
        c.wait()

    def _norm(vec, name):
        m, s = _NORM[name]
        return (vec - jnp.float32(m)) * jnp.float32(1.0 / s)

    @plsc.parallel_loop(0, _G, 1, unroll=1)
    def body(g):
        s16 = pl.ds(g * _L, _L)
        out_v[0, s16] = _norm(lngs_v[s16], 'lngs')
        out_v[1, s16] = _norm(lats_v[s16], 'lats')
        wi = w_v[s16]
        di = d_v[s16]

        for c in range(_E):
            out_v[2 + c, s16] = plsc.load_gather(
                wt_v, [jnp.full((_L,), c, jnp.int32), wi])
        for c in range(_E):
            out_v[10 + c, s16] = plsc.load_gather(
                dt_v, [jnp.full((_L,), c, jnp.int32), di])
        out_v[18, s16] = _norm(temp_v[s16], 'temperature')
        out_v[19, s16] = _norm(gap_v[s16], 'dist_gap')
        out_v[20, s16] = _norm(dist_v[s16], 'dist')

    pltpu.sync_copy(out_v, out_h.at[:, sl])


def kernel(lngs, lats, weather, wind, temperature, dist_gap, dist,
           weather_table, wind_table):
    out_t = _net_sc(lngs, lats, weather, wind, temperature, dist_gap, dist,
                    weather_table.T, wind_table.T)
    return out_t.T

# --- scband reference (transcript-rebuilt; emitter-appended) ---
"""Pipeline reference for scband-net-17008070493096 (READ-ONLY COPY).

The authoritative reference and input builder live on the scoring server;
editing this copy changes nothing except your own understanding.
"""

import jax, jax.numpy as jnp
import numpy as np

B = 16384

# normalization constants standing in for utils.normalize / config stats
_MEANS = {'lngs': 116.35, 'lats': 39.92, 'temperature': 12.5, 'dist_gap': 1.2, 'dist': 18.7}
_STDS  = {'lngs': 0.22,   'lats': 0.18,  'temperature': 9.3,  'dist_gap': 0.8, 'dist': 10.4}

def _normalize(x, name):
    return (x - _MEANS[name]) / _STDS[name]

def setup_inputs(seed: int = 0) -> dict:
    key = jax.random.key(seed)
    ks = jax.random.split(key, 9)
    return {
        'lngs': jax.random.normal(ks[0], (B,), dtype=jnp.float32) * 0.22 + 116.35,
        'lats': jax.random.normal(ks[1], (B,), dtype=jnp.float32) * 0.18 + 39.92,
        'weather': jax.random.randint(ks[2], (B,), 0, 24, dtype=jnp.int32),
        'wind': jax.random.randint(ks[3], (B,), 0, 42, dtype=jnp.int32),
        'temperature': jax.random.normal(ks[4], (B,), dtype=jnp.float32) * 9.3 + 12.5,
        'dist_gap': jax.random.normal(ks[5], (B,), dtype=jnp.float32) * 0.8 + 1.2,
        'dist': jax.random.normal(ks[6], (B,), dtype=jnp.float32) * 10.4 + 18.7,
        'weather_table': jax.random.normal(ks[7], (24, 8), dtype=jnp.float32) * 0.02,
        'wind_table': jax.random.normal(ks[8], (42, 8), dtype=jnp.float32) * 0.02,
    }

def reference(lngs, lats, weather, wind, temperature, dist_gap, dist, weather_table, wind_table):
    feats = []
    # continuous_features_from_y order: lngs, lats, weather, wind, temperature, dist_gap
    feats.append(_normalize(lngs, 'lngs').reshape(-1, 1))
    feats.append(_normalize(lats, 'lats').reshape(-1, 1))
    feats.append(jnp.take(weather_table, weather, axis=0))
    feats.append(jnp.take(wind_table, wind, axis=0))
    feats.append(_normalize(temperature, 'temperature').reshape(-1, 1))
    feats.append(_normalize(dist_gap, 'dist_gap').reshape(-1, 1))
    # continuous_features_from_attr: dist
    feats.append(_normalize(dist, 'dist').reshape(-1, 1))
    return jnp.concatenate(feats, axis=1)

if __name__ == "__main__":
    import jax
    _d = setup_inputs()
    print(jax.jit(kernel)(*tuple(_d.values())))

</pallas_src>

<mosaic_0001>
#map = affine_map<(d0, d1) -> (0)>
#map1 = affine_map<(d0, d1) -> (0, 0)>
module attributes {stable_mosaic.version = 14 : i64} {
  func.func @_net_sc(%arg0: i32, %arg1: i32, %arg2: memref<16384xf32, #tpu.memory_space<hbm>>, %arg3: memref<16384xf32, #tpu.memory_space<hbm>>, %arg4: memref<16384xi32, #tpu.memory_space<hbm>>, %arg5: memref<16384xi32, #tpu.memory_space<hbm>>, %arg6: memref<16384xf32, #tpu.memory_space<hbm>>, %arg7: memref<16384xf32, #tpu.memory_space<hbm>>, %arg8: memref<16384xf32, #tpu.memory_space<hbm>>, %arg9: memref<8x24xf32, #tpu.memory_space<hbm>>, %arg10: memref<8x42xf32, #tpu.memory_space<hbm>>, %arg11: memref<21x16384xf32, #tpu.memory_space<hbm>>, %arg12: memref<1024xf32, #tpu.memory_space<vmem>>, %arg13: memref<1024xf32, #tpu.memory_space<vmem>>, %arg14: memref<1024xf32, #tpu.memory_space<vmem>>, %arg15: memref<1024xf32, #tpu.memory_space<vmem>>, %arg16: memref<1024xf32, #tpu.memory_space<vmem>>, %arg17: memref<1024xi32, #tpu.memory_space<vmem>>, %arg18: memref<1024xi32, #tpu.memory_space<vmem>>, %arg19: memref<8x24xf32, #tpu.memory_space<vmem>>, %arg20: memref<8x42xf32, #tpu.memory_space<vmem>>, %arg21: memref<21x1024xf32, #tpu.memory_space<vmem>>, %arg22: memref<!tpu.dma_semaphore, #tpu.memory_space<semaphore_mem>>) attributes {dimension_semantics = [#tpu.dimension_semantics<core_parallel>, #tpu.dimension_semantics<subcore_parallel>], iteration_bounds = array<i64: 1, 16>, scalar_prefetch = 0 : i64, scratch_operands = 11 : i64, tpu.core_type = #tpu.core_type<sc_vector_subcore>, window_params = [{transform_indices = #map}, {transform_indices = #map}, {transform_indices = #map}, {transform_indices = #map}, {transform_indices = #map}, {transform_indices = #map}, {transform_indices = #map}, {transform_indices = #map1}, {transform_indices = #map1}, {transform_indices = #map1}]} {
    %mul3A = arith.constant 1 : i32
    %mul3A_0 = arith.muli %arg1, %mul3A : i32
    %add3A = arith.addi %mul3A_0, %arg0 : i32
    %mul3A_1 = arith.constant 1024 : i32
    %mul3A_2 = arith.muli %add3A, %mul3A_1 : i32
    %dma_start3A = tpu.memref_slice %arg2[%mul3A_2] : memref<16384xf32, #tpu.memory_space<hbm>> -> memref<1024xf32, #tpu.memory_space<hbm>>
    %dma_start3A_3 = tpu.memref_slice %arg2[%mul3A_2] : memref<16384xf32, #tpu.memory_space<hbm>> -> memref<1024xf32, #tpu.memory_space<hbm>>
    tpu.enqueue_dma source(%dma_start3A_3 : memref<1024xf32, #tpu.memory_space<hbm>>) target(%arg12 : memref<1024xf32, #tpu.memory_space<vmem>>) target_semaphore(%arg22 : memref<!tpu.dma_semaphore, #tpu.memory_space<semaphore_mem>>)
    %dma_start3A_4 = tpu.memref_slice %arg3[%mul3A_2] : memref<16384xf32, #tpu.memory_space<hbm>> -> memref<1024xf32, #tpu.memory_space<hbm>>
    %dma_start3A_5 = tpu.memref_slice %arg3[%mul3A_2] : memref<16384xf32, #tpu.memory_space<hbm>> -> memref<1024xf32, #tpu.memory_space<hbm>>
    tpu.enqueue_dma source(%dma_start3A_5 : memref<1024xf32, #tpu.memory_space<hbm>>) target(%arg13 : memref<1024xf32, #tpu.memory_space<vmem>>) target_semaphore(%arg22 : memref<!tpu.dma_semaphore, #tpu.memory_space<semaphore_mem>>)
    %dma_start3A_6 = tpu.memref_slice %arg6[%mul3A_2] : memref<16384xf32, #tpu.memory_space<hbm>> -> memref<1024xf32, #tpu.memory_space<hbm>>
    %dma_start3A_7 = tpu.memref_slice %arg6[%mul3A_2] : memref<16384xf32, #tpu.memory_space<hbm>> -> memref<1024xf32, #tpu.memory_space<hbm>>
    tpu.enqueue_dma source(%dma_start3A_7 : memref<1024xf32, #tpu.memory_space<hbm>>) target(%arg14 : memref<1024xf32, #tpu.memory_space<vmem>>) target_semaphore(%arg22 : memref<!tpu.dma_semaphore, #tpu.memory_space<semaphore_mem>>)
    %dma_start3A_8 = tpu.memref_slice %arg7[%mul3A_2] : memref<16384xf32, #tpu.memory_space<hbm>> -> memref<1024xf32, #tpu.memory_space<hbm>>
    %dma_start3A_9 = tpu.memref_slice %arg7[%mul3A_2] : memref<16384xf32, #tpu.memory_space<hbm>> -> memref<1024xf32, #tpu.memory_space<hbm>>
    tpu.enqueue_dma source(%dma_start3A_9 : memref<1024xf32, #tpu.memory_space<hbm>>) target(%arg15 : memref<1024xf32, #tpu.memory_space<vmem>>) target_semaphore(%arg22 : memref<!tpu.dma_semaphore, #tpu.memory_space<semaphore_mem>>)
    %dma_start3A_10 = tpu.memref_slice %arg8[%mul3A_2] : memref<16384xf32, #tpu.memory_space<hbm>> -> memref<1024xf32, #tpu.memory_space<hbm>>
    %dma_start3A_11 = tpu.memref_slice %arg8[%mul3A_2] : memref<16384xf32, #tpu.memory_space<hbm>> -> memref<1024xf32, #tpu.memory_space<hbm>>
    tpu.enqueue_dma source(%dma_start3A_11 : memref<1024xf32, #tpu.memory_space<hbm>>) target(%arg16 : memref<1024xf32, #tpu.memory_space<vmem>>) target_semaphore(%arg22 : memref<!tpu.dma_semaphore, #tpu.memory_space<semaphore_mem>>)
    %dma_start3A_12 = tpu.memref_slice %arg4[%mul3A_2] : memref<16384xi32, #tpu.memory_space<hbm>> -> memref<1024xi32, #tpu.memory_space<hbm>>
    %dma_start3A_13 = tpu.memref_slice %arg4[%mul3A_2] : memref<16384xi32, #tpu.memory_space<hbm>> -> memref<1024xi32, #tpu.memory_space<hbm>>
    tpu.enqueue_dma source(%dma_start3A_13 : memref<1024xi32, #tpu.memory_space<hbm>>) target(%arg17 : memref<1024xi32, #tpu.memory_space<vmem>>) target_semaphore(%arg22 : memref<!tpu.dma_semaphore, #tpu.memory_space<semaphore_mem>>)
    %dma_start3A_14 = tpu.memref_slice %arg5[%mul3A_2] : memref<16384xi32, #tpu.memory_space<hbm>> -> memref<1024xi32, #tpu.memory_space<hbm>>
    %dma_start3A_15 = tpu.memref_slice %arg5[%mul3A_2] : memref<16384xi32, #tpu.memory_space<hbm>> -> memref<1024xi32, #tpu.memory_space<hbm>>
    tpu.enqueue_dma source(%dma_start3A_15 : memref<1024xi32, #tpu.memory_space<hbm>>) target(%arg18 : memref<1024xi32, #tpu.memory_space<vmem>>) target_semaphore(%arg22 : memref<!tpu.dma_semaphore, #tpu.memory_space<semaphore_mem>>)
    tpu.enqueue_dma source(%arg9 : memref<8x24xf32, #tpu.memory_space<hbm>>) target(%arg19 : memref<8x24xf32, #tpu.memory_space<vmem>>) target_semaphore(%arg22 : memref<!tpu.dma_semaphore, #tpu.memory_space<semaphore_mem>>)
    tpu.enqueue_dma source(%arg10 : memref<8x42xf32, #tpu.memory_space<hbm>>) target(%arg20 : memref<8x42xf32, #tpu.memory_space<vmem>>) target_semaphore(%arg22 : memref<!tpu.dma_semaphore, #tpu.memory_space<semaphore_mem>>)
    %dma_wait3A = tpu.memref_slice %arg2[%mul3A_2] : memref<16384xf32, #tpu.memory_space<hbm>> -> memref<1024xf32, #tpu.memory_space<hbm>>
    %dma_wait3A_16 = tpu.memref_slice %arg2[%mul3A_2] : memref<16384xf32, #tpu.memory_space<hbm>> -> memref<1024xf32, #tpu.memory_space<hbm>>
    tpu.wait_dma2 semaphore(%arg22 : memref<!tpu.dma_semaphore, #tpu.memory_space<semaphore_mem>>) src(%dma_wait3A_16 : memref<1024xf32, #tpu.memory_space<hbm>>) dst(%arg12 : memref<1024xf32, #tpu.memory_space<vmem>>)
    %dma_wait3A_17 = tpu.memref_slice %arg3[%mul3A_2] : memref<16384xf32, #tpu.memory_space<hbm>> -> memref<1024xf32, #tpu.memory_space<hbm>>
    %dma_wait3A_18 = tpu.memref_slice %arg3[%mul3A_2] : memref<16384xf32, #tpu.memory_space<hbm>> -> memref<1024xf32, #tpu.memory_space<hbm>>
    tpu.wait_dma2 semaphore(%arg22 : memref<!tpu.dma_semaphore, #tpu.memory_space<semaphore_mem>>) src(%dma_wait3A_18 : memref<1024xf32, #tpu.memory_space<hbm>>) dst(%arg13 : memref<1024xf32, #tpu.memory_space<vmem>>)
    %dma_wait3A_19 = tpu.memref_slice %arg6[%mul3A_2] : memref<16384xf32, #tpu.memory_space<hbm>> -> memref<1024xf32, #tpu.memory_space<hbm>>
    %dma_wait3A_20 = tpu.memref_slice %arg6[%mul3A_2] : memref<16384xf32, #tpu.memory_space<hbm>> -> memref<1024xf32, #tpu.memory_space<hbm>>
    tpu.wait_dma2 semaphore(%arg22 : memref<!tpu.dma_semaphore, #tpu.memory_space<semaphore_mem>>) src(%dma_wait3A_20 : memref<1024xf32, #tpu.memory_space<hbm>>) dst(%arg14 : memref<1024xf32, #tpu.memory_space<vmem>>)
    %dma_wait3A_21 = tpu.memref_slice %arg7[%mul3A_2] : memref<16384xf32, #tpu.memory_space<hbm>> -> memref<1024xf32, #tpu.memory_space<hbm>>
    %dma_wait3A_22 = tpu.memref_slice %arg7[%mul3A_2] : memref<16384xf32, #tpu.memory_space<hbm>> -> memref<1024xf32, #tpu.memory_space<hbm>>
    tpu.wait_dma2 semaphore(%arg22 : memref<!tpu.dma_semaphore, #tpu.memory_space<semaphore_mem>>) src(%dma_wait3A_22 : memref<1024xf32, #tpu.memory_space<hbm>>) dst(%arg15 : memref<1024xf32, #tpu.memory_space<vmem>>)
    %dma_wait3A_23 = tpu.memref_slice %arg8[%mul3A_2] : memref<16384xf32, #tpu.memory_space<hbm>> -> memref<1024xf32, #tpu.memory_space<hbm>>
    %dma_wait3A_24 = tpu.memref_slice %arg8[%mul3A_2] : memref<16384xf32, #tpu.memory_space<hbm>> -> memref<1024xf32, #tpu.memory_space<hbm>>
    tpu.wait_dma2 semaphore(%arg22 : memref<!tpu.dma_semaphore, #tpu.memory_space<semaphore_mem>>) src(%dma_wait3A_24 : memref<1024xf32, #tpu.memory_space<hbm>>) dst(%arg16 : memref<1024xf32, #tpu.memory_space<vmem>>)
    %dma_wait3A_25 = tpu.memref_slice %arg4[%mul3A_2] : memref<16384xi32, #tpu.memory_space<hbm>> -> memref<1024xi32, #tpu.memory_space<hbm>>
    %dma_wait3A_26 = tpu.memref_slice %arg4[%mul3A_2] : memref<16384xi32, #tpu.memory_space<hbm>> -> memref<1024xi32, #tpu.memory_space<hbm>>
    tpu.wait_dma2 semaphore(%arg22 : memref<!tpu.dma_semaphore, #tpu.memory_space<semaphore_mem>>) src(%dma_wait3A_26 : memref<1024xi32, #tpu.memory_space<hbm>>) dst(%arg17 : memref<1024xi32, #tpu.memory_space<vmem>>)
    %dma_wait3A_27 = tpu.memref_slice %arg5[%mul3A_2] : memref<16384xi32, #tpu.memory_space<hbm>> -> memref<1024xi32, #tpu.memory_space<hbm>>
    %dma_wait3A_28 = tpu.memref_slice %arg5[%mul3A_2] : memref<16384xi32, #tpu.memory_space<hbm>> -> memref<1024xi32, #tpu.memory_space<hbm>>
    tpu.wait_dma2 semaphore(%arg22 : memref<!tpu.dma_semaphore, #tpu.memory_space<semaphore_mem>>) src(%dma_wait3A_28 : memref<1024xi32, #tpu.memory_space<hbm>>) dst(%arg18 : memref<1024xi32, #tpu.memory_space<vmem>>)
    tpu.wait_dma2 semaphore(%arg22 : memref<!tpu.dma_semaphore, #tpu.memory_space<semaphore_mem>>) src(%arg9 : memref<8x24xf32, #tpu.memory_space<hbm>>) dst(%arg19 : memref<8x24xf32, #tpu.memory_space<vmem>>)
    tpu.wait_dma2 semaphore(%arg22 : memref<!tpu.dma_semaphore, #tpu.memory_space<semaphore_mem>>) src(%arg10 : memref<8x42xf32, #tpu.memory_space<hbm>>) dst(%arg20 : memref<8x42xf32, #tpu.memory_space<vmem>>)
    %parallel_loop3A = arith.constant 0 : i32
    %parallel_loop3A_29 = arith.constant 64 : i32
    %parallel_loop3A_30 = arith.constant 1 : i32
    scf.for %parallel_loop3A_31 = %parallel_loop3A to %parallel_loop3A_29 step %parallel_loop3A_30  : i32 {
      %parallel_loop3A_32 = arith.constant 16 : i32
      %parallel_loop3A_33 = arith.muli %parallel_loop3A_31, %parallel_loop3A_32 : i32
      %parallel_loop3A_34 = arith.index_cast %parallel_loop3A_33 : i32 to index
      %parallel_loop3A_35 = tpu.vector_load %arg12[%parallel_loop3A_34] {strides = array<i32>} : memref<1024xf32, #tpu.memory_space<vmem>>, vector<16xf32>,
      %parallel_loop3A_36 = arith.constant 1.163500e+02 : f32
      %parallel_loop3A_37 = vector.broadcast %parallel_loop3A_36 : f32 to vector<16xf32>
      %parallel_loop3A_38 = arith.subf %parallel_loop3A_35, %parallel_loop3A_37 : vector<16xf32>
      %parallel_loop3A_39 = arith.constant 4.5454545 : f32
      %parallel_loop3A_40 = vector.broadcast %parallel_loop3A_39 : f32 to vector<16xf32>
      %parallel_loop3A_41 = arith.mulf %parallel_loop3A_38, %parallel_loop3A_40 : vector<16xf32>
      %parallel_loop3A_42 = arith.constant 0 : i32
      %parallel_loop3A_43 = arith.index_cast %parallel_loop3A_42 : i32 to index
      %parallel_loop3A_44 = arith.index_cast %parallel_loop3A_33 : i32 to index
      %parallel_loop3A_45 = tpu.vector_load %arg21[%parallel_loop3A_43, %parallel_loop3A_44] {strides = array<i32>} : memref<21x1024xf32, #tpu.memory_space<vmem>>, vector<16xf32>,
      tpu.vector_store %arg21[%parallel_loop3A_43, %parallel_loop3A_44], %parallel_loop3A_41 {strides = array<i32>} : memref<21x1024xf32, #tpu.memory_space<vmem>>, vector<16xf32>,
      %parallel_loop3A_46 = arith.index_cast %parallel_loop3A_33 : i32 to index
      %parallel_loop3A_47 = tpu.vector_load %arg13[%parallel_loop3A_46] {strides = array<i32>} : memref<1024xf32, #tpu.memory_space<vmem>>, vector<16xf32>,
      %parallel_loop3A_48 = arith.constant 3.992000e+01 : f32
      %parallel_loop3A_49 = vector.broadcast %parallel_loop3A_48 : f32 to vector<16xf32>
      %parallel_loop3A_50 = arith.subf %parallel_loop3A_47, %parallel_loop3A_49 : vector<16xf32>
      %parallel_loop3A_51 = arith.constant 5.55555534 : f32
      %parallel_loop3A_52 = vector.broadcast %parallel_loop3A_51 : f32 to vector<16xf32>
      %parallel_loop3A_53 = arith.mulf %parallel_loop3A_50, %parallel_loop3A_52 : vector<16xf32>
      %parallel_loop3A_54 = arith.constant 1 : i32
      %parallel_loop3A_55 = arith.index_cast %parallel_loop3A_54 : i32 to index
      %parallel_loop3A_56 = arith.index_cast %parallel_loop3A_33 : i32 to index
      %parallel_loop3A_57 = tpu.vector_load %arg21[%parallel_loop3A_55, %parallel_loop3A_56] {strides = array<i32>} : memref<21x1024xf32, #tpu.memory_space<vmem>>, vector<16xf32>,
      tpu.vector_store %arg21[%parallel_loop3A_55, %parallel_loop3A_56], %parallel_loop3A_53 {strides = array<i32>} : memref<21x1024xf32, #tpu.memory_space<vmem>>, vector<16xf32>,
      %parallel_loop3A_58 = arith.index_cast %parallel_loop3A_33 : i32 to index
      %parallel_loop3A_59 = tpu.vector_load %arg17[%parallel_loop3A_58] {strides = array<i32>} : memref<1024xi32, #tpu.memory_space<vmem>>, vector<16xi32>,
      %parallel_loop3A_60 = arith.index_cast %parallel_loop3A_33 : i32 to index
      %parallel_loop3A_61 = tpu.vector_load %arg18[%parallel_loop3A_60] {strides = array<i32>} : memref<1024xi32, #tpu.memory_space<vmem>>, vector<16xi32>,
      %parallel_loop3A_62 = arith.constant 0 : i32
      %parallel_loop3A_63 = vector.broadcast %parallel_loop3A_62 : i32 to vector<16xi32>
      %parallel_loop3A_64 = tpu.vector_load_idx %arg19[%parallel_loop3A_63, %parallel_loop3A_59] : memref<8x24xf32, #tpu.memory_space<vmem>>[vector<16xi32>, vector<16xi32>], vector<16xf32>,
      %parallel_loop3A_65 = arith.constant 2 : i32
      %parallel_loop3A_66 = arith.index_cast %parallel_loop3A_65 : i32 to index
      %parallel_loop3A_67 = arith.index_cast %parallel_loop3A_33 : i32 to index
      %parallel_loop3A_68 = tpu.vector_load %arg21[%parallel_loop3A_66, %parallel_loop3A_67] {strides = array<i32>} : memref<21x1024xf32, #tpu.memory_space<vmem>>, vector<16xf32>,
      tpu.vector_store %arg21[%parallel_loop3A_66, %parallel_loop3A_67], %parallel_loop3A_64 {strides = array<i32>} : memref<21x1024xf32, #tpu.memory_space<vmem>>, vector<16xf32>,
      %parallel_loop3A_69 = arith.constant 1 : i32
      %parallel_loop3A_70 = vector.broadcast %parallel_loop3A_69 : i32 to vector<16xi32>
      %parallel_loop3A_71 = tpu.vector_load_idx %arg19[%parallel_loop3A_70, %parallel_loop3A_59] : memref<8x24xf32, #tpu.memory_space<vmem>>[vector<16xi32>, vector<16xi32>], vector<16xf32>,
      %parallel_loop3A_72 = arith.constant 3 : i32
      %parallel_loop3A_73 = arith.index_cast %parallel_loop3A_72 : i32 to index
      %parallel_loop3A_74 = arith.index_cast %parallel_loop3A_33 : i32 to index
      %parallel_loop3A_75 = tpu.vector_load %arg21[%parallel_loop3A_73, %parallel_loop3A_74] {strides = array<i32>} : memref<21x1024xf32, #tpu.memory_space<vmem>>, vector<16xf32>,
      tpu.vector_store %arg21[%parallel_loop3A_73, %parallel_loop3A_74], %parallel_loop3A_71 {strides = array<i32>} : memref<21x1024xf32, #tpu.memory_space<vmem>>, vector<16xf32>,
      %parallel_loop3A_76 = arith.constant 2 : i32
      %parallel_loop3A_77 = vector.broadcast %parallel_loop3A_76 : i32 to vector<16xi32>
      %parallel_loop3A_78 = tpu.vector_load_idx %arg19[%parallel_loop3A_77, %parallel_loop3A_59] : memref<8x24xf32, #tpu.memory_space<vmem>>[vector<16xi32>, vector<16xi32>], vector<16xf32>,
      %parallel_loop3A_79 = arith.constant 4 : i32
      %parallel_loop3A_80 = arith.index_cast %parallel_loop3A_79 : i32 to index
      %parallel_loop3A_81 = arith.index_cast %parallel_loop3A_33 : i32 to index
      %parallel_loop3A_82 = tpu.vector_load %arg21[%parallel_loop3A_80, %parallel_loop3A_81] {strides = array<i32>} : memref<21x1024xf32, #tpu.memory_space<vmem>>, vector<16xf32>,
      tpu.vector_store %arg21[%parallel_loop3A_80, %parallel_loop3A_81], %parallel_loop3A_78 {strides = array<i32>} : memref<21x1024xf32, #tpu.memory_space<vmem>>, vector<16xf32>,
      %parallel_loop3A_83 = arith.constant 3 : i32
      %parallel_loop3A_84 = vector.broadcast %parallel_loop3A_83 : i32 to vector<16xi32>
      %parallel_loop3A_85 = tpu.vector_load_idx %arg19[%parallel_loop3A_84, %parallel_loop3A_59] : memref<8x24xf32, #tpu.memory_space<vmem>>[vector<16xi32>, vector<16xi32>], vector<16xf32>,
      %parallel_loop3A_86 = arith.constant 5 : i32
      %parallel_loop3A_87 = arith.index_cast %parallel_loop3A_86 : i32 to index
      %parallel_loop3A_88 = arith.index_cast %parallel_loop3A_33 : i32 to index
      %parallel_loop3A_89 = tpu.vector_load %arg21[%parallel_loop3A_87, %parallel_loop3A_88] {strides = array<i32>} : memref<21x1024xf32, #tpu.memory_space<vmem>>, vector<16xf32>,
      tpu.vector_store %arg21[%parallel_loop3A_87, %parallel_loop3A_88], %parallel_loop3A_85 {strides = array<i32>} : memref<21x1024xf32, #tpu.memory_space<vmem>>, vector<16xf32>,
      %parallel_loop3A_90 = arith.constant 4 : i32
      %parallel_loop3A_91 = vector.broadcast %parallel_loop3A_90 : i32 to vector<16xi32>
      %parallel_loop3A_92 = tpu.vector_load_idx %arg19[%parallel_loop3A_91, %parallel_loop3A_59] : memref<8x24xf32, #tpu.memory_space<vmem>>[vector<16xi32>, vector<16xi32>], vector<16xf32>,
      %parallel_loop3A_93 = arith.constant 6 : i32
      %parallel_loop3A_94 = arith.index_cast %parallel_loop3A_93 : i32 to index
      %parallel_loop3A_95 = arith.index_cast %parallel_loop3A_33 : i32 to index
      %parallel_loop3A_96 = tpu.vector_load %arg21[%parallel_loop3A_94, %parallel_loop3A_95] {strides = array<i32>} : memref<21x1024xf32, #tpu.memory_space<vmem>>, vector<16xf32>,
      tpu.vector_store %arg21[%parallel_loop3A_94, %parallel_loop3A_95], %parallel_loop3A_92 {strides = array<i32>} : memref<21x1024xf32, #tpu.memory_space<vmem>>, vector<16xf32>,
      %parallel_loop3A_97 = arith.constant 5 : i32
      %parallel_loop3A_98 = vector.broadcast %parallel_loop3A_97 : i32 to vector<16xi32>
      %parallel_loop3A_99 = tpu.vector_load_idx %arg19[%parallel_loop3A_98, %parallel_loop3A_59] : memref<8x24xf32, #tpu.memory_space<vmem>>[vector<16xi32>, vector<16xi32>], vector<16xf32>,
      %parallel_loop3A_100 = arith.constant 7 : i32
      %parallel_loop3A_101 = arith.index_cast %parallel_loop3A_100 : i32 to index
      %parallel_loop3A_102 = arith.index_cast %parallel_loop3A_33 : i32 to index
      %parallel_loop3A_103 = tpu.vector_load %arg21[%parallel_loop3A_101, %parallel_loop3A_102] {strides = array<i32>} : memref<21x1024xf32, #tpu.memory_space<vmem>>, vector<16xf32>,
      tpu.vector_store %arg21[%parallel_loop3A_101, %parallel_loop3A_102], %parallel_loop3A_99 {strides = array<i32>} : memref<21x1024xf32, #tpu.memory_space<vmem>>, vector<16xf32>,
      %parallel_loop3A_104 = arith.constant 6 : i32
      %parallel_loop3A_105 = vector.broadcast %parallel_loop3A_104 : i32 to vector<16xi32>
      %parallel_loop3A_106 = tpu.vector_load_idx %arg19[%parallel_loop3A_105, %parallel_loop3A_59] : memref<8x24xf32, #tpu.memory_space<vmem>>[vector<16xi32>, vector<16xi32>], vector<16xf32>,
      %parallel_loop3A_107 = arith.constant 8 : i32
      %parallel_loop3A_108 = arith.index_cast %parallel_loop3A_107 : i32 to index
      %parallel_loop3A_109 = arith.index_cast %parallel_loop3A_33 : i32 to index
      %parallel_loop3A_110 = tpu.vector_load %arg21[%parallel_loop3A_108, %parallel_loop3A_109] {strides = array<i32>} : memref<21x1024xf32, #tpu.memory_space<vmem>>, vector<16xf32>,
      tpu.vector_store %arg21[%parallel_loop3A_108, %parallel_loop3A_109], %parallel_loop3A_106 {strides = array<i32>} : memref<21x1024xf32, #tpu.memory_space<vmem>>, vector<16xf32>,
      %parallel_loop3A_111 = arith.constant 7 : i32
      %parallel_loop3A_112 = vector.broadcast %parallel_loop3A_111 : i32 to vector<16xi32>
      %parallel_loop3A_113 = tpu.vector_load_idx %arg19[%parallel_loop3A_112, %parallel_loop3A_59] : memref<8x24xf32, #tpu.memory_space<vmem>>[vector<16xi32>, vector<16xi32>], vector<16xf32>,
      %parallel_loop3A_114 = arith.constant 9 : i32
      %parallel_loop3A_115 = arith.index_cast %parallel_loop3A_114 : i32 to index
      %parallel_loop3A_116 = arith.index_cast %parallel_loop3A_33 : i32 to index
      %parallel_loop3A_117 = tpu.vector_load %arg21[%parallel_loop3A_115, %parallel_loop3A_116] {strides = array<i32>} : memref<21x1024xf32, #tpu.memory_space<vmem>>, vector<16xf32>,
      tpu.vector_store %arg21[%parallel_loop3A_115, %parallel_loop3A_116], %parallel_loop3A_113 {strides = array<i32>} : memref<21x1024xf32, #tpu.memory_space<vmem>>, vector<16xf32>,
      %parallel_loop3A_118 = arith.constant 0 : i32
      %parallel_loop3A_119 = vector.broadcast %parallel_loop3A_118 : i32 to vector<16xi32>
      %parallel_loop3A_120 = tpu.vector_load_idx %arg20[%parallel_loop3A_119, %parallel_loop3A_61] : memref<8x42xf32, #tpu.memory_space<vmem>>[vector<16xi32>, vector<16xi32>], vector<16xf32>,
      %parallel_loop3A_121 = arith.constant 10 : i32
      %parallel_loop3A_122 = arith.index_cast %parallel_loop3A_121 : i32 to index
      %parallel_loop3A_123 = arith.index_cast %parallel_loop3A_33 : i32 to index
      %parallel_loop3A_124 = tpu.vector_load %arg21[%parallel_loop3A_122, %parallel_loop3A_123] {strides = array<i32>} : memref<21x1024xf32, #tpu.memory_space<vmem>>, vector<16xf32>,
      tpu.vector_store %arg21[%parallel_loop3A_122, %parallel_loop3A_123], %parallel_loop3A_120 {strides = array<i32>} : memref<21x1024xf32, #tpu.memory_space<vmem>>, vector<16xf32>,
      %parallel_loop3A_125 = arith.constant 1 : i32
      %parallel_loop3A_126 = vector.broadcast %parallel_loop3A_125 : i32 to vector<16xi32>
      %parallel_loop3A_127 = tpu.vector_load_idx %arg20[%parallel_loop3A_126, %parallel_loop3A_61] : memref<8x42xf32, #tpu.memory_space<vmem>>[vector<16xi32>, vector<16xi32>], vector<16xf32>,
      %parallel_loop3A_128 = arith.constant 11 : i32
      %parallel_loop3A_129 = arith.index_cast %parallel_loop3A_128 : i32 to index
      %parallel_loop3A_130 = arith.index_cast %parallel_loop3A_33 : i32 to index
      %parallel_loop3A_131 = tpu.vector_load %arg21[%parallel_loop3A_129, %parallel_loop3A_130] {strides = array<i32>} : memref<21x1024xf32, #tpu.memory_space<vmem>>, vector<16xf32>,
      tpu.vector_store %arg21[%parallel_loop3A_129, %parallel_loop3A_130], %parallel_loop3A_127 {strides = array<i32>} : memref<21x1024xf32, #tpu.memory_space<vmem>>, vector<16xf32>,
      %parallel_loop3A_132 = arith.constant 2 : i32
      %parallel_loop3A_133 = vector.broadcast %parallel_loop3A_132 : i32 to vector<16xi32>
      %parallel_loop3A_134 = tpu.vector_load_idx %arg20[%parallel_loop3A_133, %parallel_loop3A_61] : memref<8x42xf32, #tpu.memory_space<vmem>>[vector<16xi32>, vector<16xi32>], vector<16xf32>,
      %parallel_loop3A_135 = arith.constant 12 : i32
      %parallel_loop3A_136 = arith.index_cast %parallel_loop3A_135 : i32 to index
      %parallel_loop3A_137 = arith.index_cast %parallel_loop3A_33 : i32 to index
      %parallel_loop3A_138 = tpu.vector_load %arg21[%parallel_loop3A_136, %parallel_loop3A_137] {strides = array<i32>} : memref<21x1024xf32, #tpu.memory_space<vmem>>, vector<16xf32>,
      tpu.vector_store %arg21[%parallel_loop3A_136, %parallel_loop3A_137], %parallel_loop3A_134 {strides = array<i32>} : memref<21x1024xf32, #tpu.memory_space<vmem>>, vector<16xf32>,
      %parallel_loop3A_139 = arith.constant 3 : i32
      %parallel_loop3A_140 = vector.broadcast %parallel_loop3A_139 : i32 to vector<16xi32>
      %parallel_loop3A_141 = tpu.vector_load_idx %arg20[%parallel_loop3A_140, %parallel_loop3A_61] : memref<8x42xf32, #tpu.memory_space<vmem>>[vector<16xi32>, vector<16xi32>], vector<16xf32>,
      %parallel_loop3A_142 = arith.constant 13 : i32
      %parallel_loop3A_143 = arith.index_cast %parallel_loop3A_142 : i32 to index
      %parallel_loop3A_144 = arith.index_cast %parallel_loop3A_33 : i32 to index
      %parallel_loop3A_145 = tpu.vector_load %arg21[%parallel_loop3A_143, %parallel_loop3A_144] {strides = array<i32>} : memref<21x1024xf32, #tpu.memory_space<vmem>>, vector<16xf32>,
      tpu.vector_store %arg21[%parallel_loop3A_143, %parallel_loop3A_144], %parallel_loop3A_141 {strides = array<i32>} : memref<21x1024xf32, #tpu.memory_space<vmem>>, vector<16xf32>,
      %parallel_loop3A_146 = arith.constant 4 : i32
      %parallel_loop3A_147 = vector.broadcast %parallel_loop3A_146 : i32 to vector<16xi32>
      %parallel_loop3A_148 = tpu.vector_load_idx %arg20[%parallel_loop3A_147, %parallel_loop3A_61] : memref<8x42xf32, #tpu.memory_space<vmem>>[vector<16xi32>, vector<16xi32>], vector<16xf32>,
      %parallel_loop3A_149 = arith.constant 14 : i32
      %parallel_loop3A_150 = arith.index_cast %parallel_loop3A_149 : i32 to index
      %parallel_loop3A_151 = arith.index_cast %parallel_loop3A_33 : i32 to index
      %parallel_loop3A_152 = tpu.vector_load %arg21[%parallel_loop3A_150, %parallel_loop3A_151] {strides = array<i32>} : memref<21x1024xf32, #tpu.memory_space<vmem>>, vector<16xf32>,
      tpu.vector_store %arg21[%parallel_loop3A_150, %parallel_loop3A_151], %parallel_loop3A_148 {strides = array<i32>} : memref<21x1024xf32, #tpu.memory_space<vmem>>, vector<16xf32>,
      %parallel_loop3A_153 = arith.constant 5 : i32
      %parallel_loop3A_154 = vector.broadcast %parallel_loop3A_153 : i32 to vector<16xi32>
      %parallel_loop3A_155 = tpu.vector_load_idx %arg20[%parallel_loop3A_154, %parallel_loop3A_61] : memref<8x42xf32, #tpu.memory_space<vmem>>[vector<16xi32>, vector<16xi32>], vector<16xf32>,
      %parallel_loop3A_156 = arith.constant 15 : i32
      %parallel_loop3A_157 = arith.index_cast %parallel_loop3A_156 : i32 to index
      %parallel_loop3A_158 = arith.index_cast %parallel_loop3A_33 : i32 to index
      %parallel_loop3A_159 = tpu.vector_load %arg21[%parallel_loop3A_157, %parallel_loop3A_158] {strides = array<i32>} : memref<21x1024xf32, #tpu.memory_space<vmem>>, vector<16xf32>,
      tpu.vector_store %arg21[%parallel_loop3A_157, %parallel_loop3A_158], %parallel_loop3A_155 {strides = array<i32>} : memref<21x1024xf32, #tpu.memory_space<vmem>>, vector<16xf32>,
      %parallel_loop3A_160 = arith.constant 6 : i32
      %parallel_loop3A_161 = vector.broadcast %parallel_loop3A_160 : i32 to vector<16xi32>
      %parallel_loop3A_162 = tpu.vector_load_idx %arg20[%parallel_loop3A_161, %parallel_loop3A_61] : memref<8x42xf32, #tpu.memory_space<vmem>>[vector<16xi32>, vector<16xi32>], vector<16xf32>,
      %parallel_loop3A_163 = arith.constant 16 : i32
      %parallel_loop3A_164 = arith.index_cast %parallel_loop3A_163 : i32 to index
      %parallel_loop3A_165 = arith.index_cast %parallel_loop3A_33 : i32 to index
      %parallel_loop3A_166 = tpu.vector_load %arg21[%parallel_loop3A_164, %parallel_loop3A_165] {strides = array<i32>} : memref<21x1024xf32, #tpu.memory_space<vmem>>, vector<16xf32>,
      tpu.vector_store %arg21[%parallel_loop3A_164, %parallel_loop3A_165], %parallel_loop3A_162 {strides = array<i32>} : memref<21x1024xf32, #tpu.memory_space<vmem>>, vector<16xf32>,
      %parallel_loop3A_167 = arith.constant 7 : i32
      %parallel_loop3A_168 = vector.broadcast %parallel_loop3A_167 : i32 to vector<16xi32>
      %parallel_loop3A_169 = tpu.vector_load_idx %arg20[%parallel_loop3A_168, %parallel_loop3A_61] : memref<8x42xf32, #tpu.memory_space<vmem>>[vector<16xi32>, vector<16xi32>], vector<16xf32>,
      %parallel_loop3A_170 = arith.constant 17 : i32
      %parallel_loop3A_171 = arith.index_cast %parallel_loop3A_170 : i32 to index
      %parallel_loop3A_172 = arith.index_cast %parallel_loop3A_33 : i32 to index
      %parallel_loop3A_173 = tpu.vector_load %arg21[%parallel_loop3A_171, %parallel_loop3A_172] {strides = array<i32>} : memref<21x1024xf32, #tpu.memory_space<vmem>>, vector<16xf32>,
      tpu.vector_store %arg21[%parallel_loop3A_171, %parallel_loop3A_172], %parallel_loop3A_169 {strides = array<i32>} : memref<21x1024xf32, #tpu.memory_space<vmem>>, vector<16xf32>,
      %parallel_loop3A_174 = arith.index_cast %parallel_loop3A_33 : i32 to index
      %parallel_loop3A_175 = tpu.vector_load %arg14[%parallel_loop3A_174] {strides = array<i32>} : memref<1024xf32, #tpu.memory_space<vmem>>, vector<16xf32>,
      %parallel_loop3A_176 = arith.constant 1.250000e+01 : f32
      %parallel_loop3A_177 = vector.broadcast %parallel_loop3A_176 : f32 to vector<16xf32>
      %parallel_loop3A_178 = arith.subf %parallel_loop3A_175, %parallel_loop3A_177 : vector<16xf32>
      %parallel_loop3A_179 = arith.constant 0.107526883 : f32
      %parallel_loop3A_180 = vector.broadcast %parallel_loop3A_179 : f32 to vector<16xf32>
      %parallel_loop3A_181 = arith.mulf %parallel_loop3A_178, %parallel_loop3A_180 : vector<16xf32>
      %parallel_loop3A_182 = arith.constant 18 : i32
      %parallel_loop3A_183 = arith.index_cast %parallel_loop3A_182 : i32 to index
      %parallel_loop3A_184 = arith.index_cast %parallel_loop3A_33 : i32 to index
      %parallel_loop3A_185 = tpu.vector_load %arg21[%parallel_loop3A_183, %parallel_loop3A_184] {strides = array<i32>} : memref<21x1024xf32, #tpu.memory_space<vmem>>, vector<16xf32>,
      tpu.vector_store %arg21[%parallel_loop3A_183, %parallel_loop3A_184], %parallel_loop3A_181 {strides = array<i32>} : memref<21x1024xf32, #tpu.memory_space<vmem>>, vector<16xf32>,
      %parallel_loop3A_186 = arith.index_cast %parallel_loop3A_33 : i32 to index
      %parallel_loop3A_187 = tpu.vector_load %arg15[%parallel_loop3A_186] {strides = array<i32>} : memref<1024xf32, #tpu.memory_space<vmem>>, vector<16xf32>,
      %parallel_loop3A_188 = arith.constant 1.200000e+00 : f32
      %parallel_loop3A_189 = vector.broadcast %parallel_loop3A_188 : f32 to vector<16xf32>
      %parallel_loop3A_190 = arith.subf %parallel_loop3A_187, %parallel_loop3A_189 : vector<16xf32>
      %parallel_loop3A_191 = arith.constant 1.250000e+00 : f32
      %parallel_loop3A_192 = vector.broadcast %parallel_loop3A_191 : f32 to vector<16xf32>
      %parallel_loop3A_193 = arith.mulf %parallel_loop3A_190, %parallel_loop3A_192 : vector<16xf32>
      %parallel_loop3A_194 = arith.constant 19 : i32
      %parallel_loop3A_195 = arith.index_cast %parallel_loop3A_194 : i32 to index
      %parallel_loop3A_196 = arith.index_cast %parallel_loop3A_33 : i32 to index
      %parallel_loop3A_197 = tpu.vector_load %arg21[%parallel_loop3A_195, %parallel_loop3A_196] {strides = array<i32>} : memref<21x1024xf32, #tpu.memory_space<vmem>>, vector<16xf32>,
      tpu.vector_store %arg21[%parallel_loop3A_195, %parallel_loop3A_196], %parallel_loop3A_193 {strides = array<i32>} : memref<21x1024xf32, #tpu.memory_space<vmem>>, vector<16xf32>,
      %parallel_loop3A_198 = arith.index_cast %parallel_loop3A_33 : i32 to index
      %parallel_loop3A_199 = tpu.vector_load %arg16[%parallel_loop3A_198] {strides = array<i32>} : memref<1024xf32, #tpu.memory_space<vmem>>, vector<16xf32>,
      %parallel_loop3A_200 = arith.constant 1.870000e+01 : f32
      %parallel_loop3A_201 = vector.broadcast %parallel_loop3A_200 : f32 to vector<16xf32>
      %parallel_loop3A_202 = arith.subf %parallel_loop3A_199, %parallel_loop3A_201 : vector<16xf32>
      %parallel_loop3A_203 = arith.constant 0.0961538478 : f32
      %parallel_loop3A_204 = vector.broadcast %parallel_loop3A_203 : f32 to vector<16xf32>
      %parallel_loop3A_205 = arith.mulf %parallel_loop3A_202, %parallel_loop3A_204 : vector<16xf32>
      %parallel_loop3A_206 = arith.constant 20 : i32
      %parallel_loop3A_207 = arith.index_cast %parallel_loop3A_206 : i32 to index
      %parallel_loop3A_208 = arith.index_cast %parallel_loop3A_33 : i32 to index
      %parallel_loop3A_209 = tpu.vector_load %arg21[%parallel_loop3A_207, %parallel_loop3A_208] {strides = array<i32>} : memref<21x1024xf32, #tpu.memory_space<vmem>>, vector<16xf32>,
      tpu.vector_store %arg21[%parallel_loop3A_207, %parallel_loop3A_208], %parallel_loop3A_205 {strides = array<i32>} : memref<21x1024xf32, #tpu.memory_space<vmem>>, vector<16xf32>,
    } {sc.loop_unroll_factor = 1 : i64, sc.parallel_access}
    "tpu.region"() ({
      %run_scoped3A = tpu.sem_alloc : memref<!tpu.dma_semaphore, #tpu.memory_space<semaphore_mem>>
      %dma_start3A_31 = arith.constant 0 : i32
      %dma_start3A_32 = tpu.memref_slice %arg11[%dma_start3A_31, %mul3A_2] : memref<21x16384xf32, #tpu.memory_space<hbm>> -> memref<21x1024xf32, #tpu.memory_space<hbm>>
      %dma_start3A_33 = arith.constant 0 : i32
      %dma_start3A_34 = tpu.memref_slice %arg11[%dma_start3A_33, %mul3A_2] : memref<21x16384xf32, #tpu.memory_space<hbm>> -> memref<21x1024xf32, #tpu.memory_space<hbm>>
      tpu.enqueue_dma source(%arg21 : memref<21x1024xf32, #tpu.memory_space<vmem>>) target(%dma_start3A_34 : memref<21x1024xf32, #tpu.memory_space<hbm>>) target_semaphore(%run_scoped3A : memref<!tpu.dma_semaphore, #tpu.memory_space<semaphore_mem>>)
      %dma_wait3A_35 = arith.constant 0 : i32
      %dma_wait3A_36 = tpu.memref_slice %arg11[%dma_wait3A_35, %mul3A_2] : memref<21x16384xf32, #tpu.memory_space<hbm>> -> memref<21x1024xf32, #tpu.memory_space<hbm>>
      %dma_wait3A_37 = arith.constant 0 : i32
      %dma_wait3A_38 = tpu.memref_slice %arg11[%dma_wait3A_37, %mul3A_2] : memref<21x16384xf32, #tpu.memory_space<hbm>> -> memref<21x1024xf32, #tpu.memory_space<hbm>>
      tpu.wait_dma2 semaphore(%run_scoped3A : memref<!tpu.dma_semaphore, #tpu.memory_space<semaphore_mem>>) src(%arg21 : memref<21x1024xf32, #tpu.memory_space<vmem>>) dst(%dma_wait3A_38 : memref<21x1024xf32, #tpu.memory_space<hbm>>)
      tpu.yield
    }) : () -> ()
    return
  }
}

</mosaic_0001>

<sc_bundles>
// kernel: kernel.3.cloned.1.call-start
scs
__scs_entry_jumppad:
0x0: {  	(pc) =	sbr.rel $0x88, $3  }
0x1: {  	(tag) =	ssettag $0x0;
	lr =	simm.s32 $0x1  }
0x2: {  	[smem:$0x3F98] =	sst lr;
	_ =	strace $0xD0000000  }
0x3: {  	_ = 	snop  }
0x4: {  	_ = 	snop  }
0x5: {  	_ = 	snop  }
0x6: {  	_ = 	snop  }
0x7: {  	_ = 	snop  }
__scs_overlays_trampoline_lowered:
0x8: {  	[smem:$0x3FA7] =	sst s0  }
0x9: {  	[smem:$0x3FA8] =	sst s1  }
0xa: {  	[smem:$0x3FA9] =	sst s2  }
0xb: {  	[smem:$0x3FAA] =	sst s3  }
0xc: {  	[smem:$0x3FAB] =	sst s4  }
0xd: {  	[smem:$0x3FAC] =	sst s5  }
0xe: {  	[smem:$0x3FAD] =	sst s6  }
0xf: {  	[smem:$0x3FAE] =	sst s7  }
0x10: {  	[smem:$0x3FAF] =	sst s8  }
0x11: {  	[smem:$0x3FB0] =	sst s9;
	s0 =	simm.s32 @!p0 $0x0  }
0x12: {  	s1 =	sld [smem:$0x3F96];
	s0 =	simm.s32 @p0 $0x1  }
0x13: {  	[smem:$0x3FB1] =	sst s0;
	s0 =	simm.s32 @!p1 $0x0  }
0x14: {  	s2 =	sld [smem:$0x3F95];
	s0 =	simm.s32 @p1 $0x1  }
0x15: {  	[smem:$0x3FB2] =	sst s0;
	s0 =	simm.s32 @!p2 $0x0  }
0x16: {  	s3 =	sld [smem:$0x3FDB];
	s0 =	simm.s32 @p2 $0x1  }
0x17: {  	s4 =	simm.s32 $0x1BF5;
	[smem:$0x3FB4] =	sst s0  }
0x18: {  	s0 =	sld [smem:$0x3F97];
	_ =	swait.ge [sflag:s4], $0x0  }
0x19: {  	s7 =	sld [smem:$0x3F98]  }
0x1a: {  	s8 =	sadd.s32 $0xFFFFE003, lr  }
0x1b: {  	s9 =	sadd.s32 $0xFFFFFEF7, lr;
	s5 =	simm.s32 $0xFFFFFFFF;
	p2 =	slt.u32 s8, $0xFFFFF086  }
0x1c: {  	p1 =	slt.u32 s9, $0xF7A;
	s5 =	simm.s32 @!p2 $0x0  }
0x1d: {  	s5 =	simm.s32 @p1 $0x1;
	p0 =	seq.s32 s7, s2  }
0x1e: {  	s7 =	smul.u32 @!p0 $0xF7A, s2;
	p2 =	seq.s32 @!p0 s5, $0x0  }
0x1f: {  	s9 =	smul.u32 $0xF7A, s1;
	s8 =	simm.s32 @!p0 $0x1BF5;
	p2 =	por !p2, p0  }
0x20: {  	[sflag:s8] =	ssyncset.s32 @!p0 $0xFFFFF086;
	s6 =	sadd.s32 @!p0 s3, s7;
	s7 =	simm.s32 @!p0 $0x108  }
0x21: {  	s3 =	sadd.s32 s3, s9;
	s6 =	sadd.s32 @!p0 $0x88, s6;
	s7 =	simm.s32 @p2 $0x1082  }
0x22: {  	[simem:s7], [sflag:s8] =	dma.local @!p0 [hbm:s6], $0xF7A  }
0x23: {  	s9 =	sor.u32 $0xD0000000, s2;
	s6 =	simm.s32 $0x108;
	_ =	swait.ge @!p0 [sflag:s8], $0x0  }
0x24: {  	s3 =	sadd.s32 $0x88, s3;
	s6 =	simm.s32 @!p1 $0x1082;
	[sflag:s4] =	ssyncset.s32 $0xFFFFF086  }
0x25: {  	[simem:s6], [sflag:s4] =	dma.local [hbm:s3], $0xF7A  }
0x26: {  	[smem:$0x3F98] =	sst s1;
	(tag) =	ssettag s2;
	_ =	strace s9  }
0x27: {  	s1 =	sld [smem:$0x3FA8]  }
0x28: {  	s2 =	sld [smem:$0x3FA9]  }
0x29: {  	s4 =	sld [smem:$0x3FAB]  }
0x2a: {  	p0 =	seq.s32 s5, $0x0;
	s5 =	sld [smem:$0x3FAC]  }
0x2b: {  	s6 =	sld [smem:$0x3FAD]  }
0x2c: {  	s7 =	sld [smem:$0x3FAE]  }
0x2d: {  	s3 =	simm.s32 $0x108;
	s8 =	sld [smem:$0x3FAF]  }
0x2e: {  	s3 =	simm.s32 @!p0 $0x1082;
	s9 =	sld [smem:$0x3FB0]  }
0x2f: {  	lr =	sadd.s32 s0, s3;
	s0 =	sld [smem:$0x3FA7]  }
0x30: {  	s3 =	sld [smem:$0x3FAA]  }
0x31: {  	[smem:$0x3FB3] =	sst s10  }
0x32: {  	s10 =	sld [smem:$0x3FB1];
	_ =	sdelay $0x3  }
0x33: {  	p0 =	seq.s32 s10, $0x1;
	s10 =	sld [smem:$0x3FB3];
	_ =	sdelay $0x3  }
0x34: {  	[smem:$0x3FB3] =	sst s10  }
0x35: {  	s10 =	sld [smem:$0x3FB2];
	_ =	sdelay $0x3  }
0x36: {  	p1 =	seq.s32 s10, $0x1;
	s10 =	sld [smem:$0x3FB3];
	_ =	sdelay $0x3  }
0x37: {  	[smem:$0x3FB3] =	sst s10  }
0x38: {  	s10 =	sld [smem:$0x3FB4]  }
0x39: {  	_ = 	snop;
	(pc) =	sbr.ind lr, $3  }
0x3a: {  	_ = 	snop  }
0x3b: {  	_ = 	snop  }
0x3c: {  	p2 =	seq.s32 s10, $0x1;
	s10 =	sld [smem:$0x3FB3]  }
0x3d: {  	_ =	shalt  }
0x3e: {  	_ =	shalt  }
0x3f: {  	_ =	shalt  }
0x40: {  	_ =	shalt  }
0x41: {  	_ =	shalt  }
0x42: {  	_ =	shalt  }
0x43: {  	_ =	shalt  }
0x44: {  	_ =	shalt  }
0x45: {  	_ =	shalt  }
0x46: {  	_ =	shalt  }
0x47: {  	_ =	shalt  }
0x48: {  	_ =	shalt  }
0x49: {  	_ =	shalt  }
0x4a: {  	_ =	shalt  }
0x4b: {  	_ =	shalt  }
0x4c: {  	_ =	shalt  }
0x4d: {  	_ =	shalt  }
0x4e: {  	_ =	shalt  }
0x4f: {  	_ =	shalt  }
0x50: {  	_ =	shalt  }
0x51: {  	_ =	shalt  }
0x52: {  	_ =	shalt  }
0x53: {  	_ =	shalt  }
0x54: {  	_ =	shalt  }
0x55: {  	_ =	shalt  }
0x56: {  	_ =	shalt  }
0x57: {  	_ =	shalt  }
0x58: {  	_ =	shalt  }
0x59: {  	_ =	shalt  }
0x5a: {  	_ =	shalt  }
0x5b: {  	_ =	shalt  }
0x5c: {  	_ =	shalt  }
0x5d: {  	_ =	shalt  }
0x5e: {  	_ =	shalt  }
0x5f: {  	_ =	shalt  }
0x60: {  	_ =	shalt  }
0x61: {  	_ =	shalt  }
0x62: {  	_ =	shalt  }
0x63: {  	_ =	shalt  }
0x64: {  	_ =	shalt  }
0x65: {  	_ =	shalt  }
0x66: {  	_ =	shalt  }
0x67: {  	_ =	shalt  }
0x68: {  	_ =	shalt  }
0x69: {  	_ =	shalt  }
0x6a: {  	_ =	shalt  }
0x6b: {  	_ =	shalt  }
0x6c: {  	_ =	shalt  }
0x6d: {  	_ =	shalt  }
0x6e: {  	_ =	shalt  }
0x6f: {  	_ =	shalt  }
0x70: {  	_ =	shalt  }
0x71: {  	_ =	shalt  }
0x72: {  	_ =	shalt  }
0x73: {  	_ =	shalt  }
0x74: {  	_ =	shalt  }
0x75: {  	_ =	shalt  }
0x76: {  	_ =	shalt  }
0x77: {  	_ =	shalt  }
0x78: {  	_ =	shalt  }
0x79: {  	_ =	shalt  }
0x7a: {  	_ =	shalt  }
0x7b: {  	_ =	shalt  }
0x7c: {  	_ =	shalt  }
0x7d: {  	_ =	shalt  }
0x7e: {  	_ =	shalt  }
0x7f: {  	_ =	shalt  }
0x80: {  	_ =	shalt  }
0x81: {  	_ =	shalt  }
0x82: {  	_ =	shalt  }
0x83: {  	_ =	shalt  }
0x84: {  	_ =	shalt  }
0x85: {  	_ =	shalt  }
0x86: {  	_ =	shalt  }
0x87: {  	_ =	shalt  }
.Lfunc_end0:
.L_simem_size_0:
called_computation_lowered:
.L_overlay_start_0:
0x88: {  	s0 =	sld [smem:$0x3FD9]  }
0x89: {  	s1 =	sld [smem:$0x3FFE];
	_ =	sdelay $0x3  }
0x8a: {  	s0 =	sadd.s32 s1, s0  }
0x8b: {  	[smem:$0x3FBF] =	sst s0  }
0x8c: {  	_ = 	snop  }
0x8d: {  	s0 =	sld [smem:$0x3FC9]  }
0x8e: {  	s17 =	sld [smem:$0x3FC8]  }
0x8f: {  	s2 =	sld [smem:$0x3FC7]  }
0x90: {  	s3 =	sld [smem:$0x3FC6]  }
0x91: {  	s4 =	sld [smem:$0x3FC5]  }
0x92: {  	s5 =	sld [smem:$0x3FC4]  }
0x93: {  	s6 =	sld [smem:$0x3FC3]  }
0x94: {  	s7 =	sld [smem:$0x3FC2]  }
0x95: {  	s8 =	sld [smem:$0x3FC1]  }
0x96: {  	s9 =	sld [smem:$0x3FD0];
	(tm) =	ssettm $0x1  }
0x97: {  	s10 =	sld [smem:$0x3FFB];
	_ =	sdelay $0x3  }
0x98: {  	_ =	strace s10  }
0x99: {  	s10 =	sld [smem:$0x3FFC];
	_ =	sdelay $0x3  }
0x9a: {  	_ =	strace s10  }
0x9b: {  	s10 =	sld [smem:$0x3FFD];
	_ =	sdelay $0x3  }
0x9c: {  	_ =	strace s10  }
0x9d: {  	_ =	strace $0x8FFFFFFF  }
0x9e: {  	s18 =	sld [smem:$0x3FDB];
	_ =	sdelay $0x1  }
0x9f: {  	s11 =	simm.s32 $_scs_section_size  }
0xa0: {  	s12 =	simm.s32 $_size__tile_overlayer_lowered;
	s13 =	simm.s32 $_tile_overlayer_lowered  }
0xa1: {  	s21 =	simm.s32 $0x1BFF;
	s20 =	sshll.u32 s13, $0x1;
	s10 =	sadd.s32 s11, s18  }
0xa2: {  	s14 =	simm.s32 $0x0;
	s19 =	sshll.u32 s12, $0x1;
	s12 =	sadd.s32 s20, s10  }
0xa3: {  	[timem:s14], [sflag:s21] =	dma.local [hbm:s12], s19  }
0xa4: {  	_ =	swait.ge [sflag:s21], s19  }
0xa5: {  	s11 =	ssub.s32 $0x0, s19;
	[sflag:s21] =	ssyncset.done $0x0  }
0xa6: {  	[sflag:s21] =	ssyncadd.s32 s11;
	_ =	sdelay $0x1  }
0xa7: {  	s22 =	simm.s32 $0x1B8B  }
0xa8: {  	_ =	swait.ge [sflag:s22], $0x1  }
0xa9: {  	[sflag:s22] =	ssyncset.done $0x0  }
0xaa: {  	s23 =	simm.s32 $0x1B8E;
	[sflag:s22] =	ssyncadd.s32 $0xFFFFFFFF  }
0xab: {  	s24 =	simm.s32 $execute0_lowered;
	[smem:$0x3FD2] =	sst s23  }
0xac: {  	s11 =	sshll.u32 s24, $0x1;
	_ =	strace $0x80000046;
	[dreg:$0x1] =	wrdreg $0xFFFFFFFF  }
0xad: {  	s25 =	simm.s32 $_size_execute0_lowered;
	s10 =	sadd.s32 s10, s11;
	[dreg:$0x0] =	wrdreg $0x0  }
0xae: {  	s11 =	sshll.u32 s25, $0x1;
	[dreg:$0x2] =	wrdreg s10  }
0xaf: {  	[dreg:$0x3] =	wrdreg s11  }
0xb0: {  	[dreg:$0x4] =	wrdreg $0xC0  }
0xb1: {  	_ =	task [dreg:s14], $0x5FFFF  }
0xb2: {  	[dreg:$0x1] =	wrdreg $0xFFFFFFFF  }
0xb3: {  	[dreg:$0x0] =	wrdreg $0x60  }
0xb4: {  	[dreg:$0x2] =	wrdreg s0  }
0xb5: {  	[dreg:$0x3] =	wrdreg s17  }
0xb6: {  	[dreg:$0x4] =	wrdreg s2  }
0xb7: {  	[dreg:$0x5] =	wrdreg s3  }
0xb8: {  	[dreg:$0x6] =	wrdreg s4  }
0xb9: {  	[dreg:$0x7] =	wrdreg s5  }
0xba: {  	[dreg:$0x8] =	wrdreg s6  }
0xbb: {  	[dreg:$0x9] =	wrdreg s7  }
0xbc: {  	[dreg:$0xa] =	wrdreg s8  }
0xbd: {  	[dreg:$0xb] =	wrdreg s9  }
0xbe: {  	[dreg:$0xc] =	wrdreg $0x9  }
0xbf: {  	_ =	task.clear_ibuf [dreg:s14], $0xDFFFF;
	_ =	strace $0x90000046  }
0xc0: {  	s26 =	simm.s32 $0x9;
	_ =	strace $0x80000048  }
0xc1: {  	_ =	swait.ge [sflag:s26], $0x1  }
0xc2: {  	[sflag:s26] =	ssyncadd.s32 $0xFFFFFFFF  }
0xc3: {  	_ =	strace $0x90000048  }
0xc4: {  	_ =	sfence  }
0xc5: {  	s28 =	sld [smem:$0x0];
	_ =	sdelay $0x1  }
0xc6: {  	s29 =	srdreg.scid  }
0xc7: {  	s30 =	sshll.u32 s29, $0xD;
	s31 =	sshrl.u32 s29, $0x2  }
0xc8: {  	s1 =	sand.u32 $0x1, s29;
	s2 =	sand.u32 $0x4000, s30;
	s0 =	sadd.s32 s31, s28  }
0xc9: {  	s1 =	sor.u32 s2, s1;
	s0 =	sshll.u32 s0, $0x11  }
0xca: {  	s0 =	sor.u32 s0, s1  }
0xcb: {  	s0 =	sadd.s32 $0x8F2B, s0  }
0xcc: {  	[sflag:s0] =	ssyncadd.remote.s32 $0x1  }
0xcd: {  	_ =	sfence.sel $0xFFFF  }
0xce: {  	[dreg:$0x0] =	wrdreg $0xFFFFFFFF;
	(pc) =	sbr.abs _section_cstart, $3  }
0xcf: {  	[dreg:$0x1] =	wrdreg $0xFFFFFFFF  }
0xd0: {  	_ =	task.clear_ibuf [dreg:s14], $0x2FFFF;
	_ =	strace $0x9FFFFFFF  }
0xd1: {  	(tm) =	ssettm $0x7FFFFFFF  }
tec
execute0_lowered:
.L_overlay_start_1:
0x0: {  	(tag) =	ssettag $0x1  }
0x1: {  	s3 =	rddreg [dreg:$0x0]  }
0x2: {  	s4 =	rddreg [dreg:$0x1]  }
0x3: {  	s6 =	rddreg [dreg:$0x2]  }
0x4: {  	s7 =	rddreg [dreg:$0x3]  }
0x5: {  	s5 =	rddreg [dreg:$0x4]  }
0x6: {  	s9 =	rddreg [dreg:$0x5]  }
0x7: {  	s10 =	rddreg [dreg:$0x6]  }
0x8: {  	s11 =	rddreg [dreg:$0x7]  }
0x9: {  	s14 =	rddreg [dreg:$0x8]  }
0xa: {  	s2 =	rddreg [dreg:$0x9];
	s8 =	simm.s32 $0x0;
	s1 =	stileid.u32  }
0xb: {  	[smem:$0x7FF] =	sst s8;
	s15 =	sshll.u32 s1, $0x7  }
0xc: {  	s0 =	rddreg [dreg:$0xa];
	_ =	strace $0x80000047;
	s3 =	sadd.s32 s3, s15  }
0xd: {  	[tilespmem:s8], [sflag:$0x1] =	stream.linear.gather [hbm4b:s3+s8], $0x400, $0x38;
	[tilespmem:$0x8400] =	vst v63  }
0xe: {  	s18 =	simm.s32 $0x400;
	s17 =	sadd.s32 s4, s15  }
0xf: {  	[tilespmem:s18], [sflag:$0x1] =	stream.linear.gather [hbm4b:s17+s8], $0x400, $0x38;
	[tilespmem:$0x8400] =	vst v63  }
0x10: {  	s12 =	simm.s32 $0x800;
	s19 =	sadd.s32 s5, s15  }
0x11: {  	[tilespmem:s12], [sflag:$0x1] =	stream.linear.gather [hbm4b:s19+s8], $0x400, $0x38;
	[tilespmem:$0x8400] =	vst v63  }
0x12: {  	s20 =	sadd.s32 s9, s15;
	s5 =	simm.s32 $0xC00  }
0x13: {  	[tilespmem:s5], [sflag:$0x1] =	stream.linear.gather [hbm4b:s20+s8], $0x400, $0x38;
	[tilespmem:$0x8400] =	vst v63  }
0x14: {  	s13 =	simm.s32 $0x1000;
	s21 =	sadd.s32 s10, s15  }
0x15: {  	[tilespmem:s13], [sflag:$0x1] =	stream.linear.gather [hbm4b:s21+s8], $0x400, $0x38;
	[tilespmem:$0x8400] =	vst v63  }
0x16: {  	s23 =	simm.s32 $0x1400;
	s22 =	sadd.s32 s6, s15  }
0x17: {  	[tilespmem:s23], [sflag:$0x1] =	stream.linear.gather [hbm4b:s22+s8], $0x400, $0x38;
	[tilespmem:$0x8400] =	vst v63  }
0x18: {  	s25 =	simm.s32 $0x1800;
	s24 =	sadd.s32 s7, s15  }
0x19: {  	[tilespmem:s25], [sflag:$0x1] =	stream.linear.gather [hbm4b:s24+s8], $0x400, $0x38;
	[tilespmem:$0x8400] =	vst v63  }
0x1a: {  	s10 =	simm.s32 $0x1C00  }
0x1b: {  	[tilespmem:s10], [sflag:$0x1] =	stream.linear.gather [hbm4b:s11+s8], $0x400, $0x38;
	[tilespmem:$0x8400] =	vst v63  }
0x1c: {  	s26 =	simm.s32 $0x1;
	s7 =	simm.s32 $0x2000  }
0x1d: {  	[tilespmem:s7], [sflag:$0x1] =	stream.linear.gather [hbm4b:s14+s8], $0x400, $0x38;
	[tilespmem:$0x8400] =	vst v63  }
0x1e: {  	_ =	swait.ge [sflag:s26], $0x400  }
0x1f: {  	[sflag:s26] =	ssyncset.done $0x0  }
0x20: {  	[sflag:s26] =	ssyncadd.s32 $0xFFFFFC00  }
0x21: {  	_ =	swait.ge [sflag:s26], $0x400  }
0x22: {  	[sflag:s26] =	ssyncset.done $0x0  }
0x23: {  	[sflag:s26] =	ssyncadd.s32 $0xFFFFFC00  }
0x24: {  	_ =	swait.ge [sflag:s26], $0x400  }
0x25: {  	[sflag:s26] =	ssyncset.done $0x0  }
0x26: {  	[sflag:s26] =	ssyncadd.s32 $0xFFFFFC00  }
0x27: {  	_ =	swait.ge [sflag:s26], $0x400  }
0x28: {  	[sflag:s26] =	ssyncset.done $0x0  }
0x29: {  	[sflag:s26] =	ssyncadd.s32 $0xFFFFFC00  }
0x2a: {  	_ =	swait.ge [sflag:s26], $0x400  }
0x2b: {  	[sflag:s26] =	ssyncset.done $0x0  }
0x2c: {  	[sflag:s26] =	ssyncadd.s32 $0xFFFFFC00  }
0x2d: {  	_ =	swait.ge [sflag:s26], $0x400  }
0x2e: {  	[sflag:s26] =	ssyncset.done $0x0  }
0x2f: {  	[sflag:s26] =	ssyncadd.s32 $0xFFFFFC00  }
0x30: {  	_ =	swait.ge [sflag:s26], $0x400  }
0x31: {  	[sflag:s26] =	ssyncset.done $0x0  }
0x32: {  	[sflag:s26] =	ssyncadd.s32 $0xFFFFFC00  }
0x33: {  	_ =	swait.ge [sflag:s26], $0x400  }
0x34: {  	[sflag:s26] =	ssyncset.done $0x0  }
0x35: {  	[sflag:s26] =	ssyncadd.s32 $0xFFFFFC00  }
0x36: {  	_ =	swait.ge [sflag:s26], $0x400  }
0x37: {  	[sflag:s26] =	ssyncset.done $0x0  }
0x38: {  	[sflag:s26] =	ssyncadd.s32 $0xFFFFFC00  }
0x39: {  	v0 =	vld [tilespmem:s8+$0x0];
	_ =	sdelay $0x4  }
0x3a: {  	v0 =	vadd.f32 $-1.163499980e+02, v0;
	_ =	sdelay $0x1  }
0x3b: {  	s29 =	sand.u32 $0x70, s8;
	s30 =	sand.u32 $0x1C00, s8;
	v0 =	vmul.f32 $4.545454500e+00, v0  }
0x3c: {  	s3 =	sor.u32 s29, s30  }
0x3d: {  	[tilespmem:s3+$0x2400] =	vst v0  }
0x3e: {  	v0 =	vld [tilespmem:s18+$0x0];
	_ =	sdelay $0x4  }
0x3f: {  	v0 =	vadd.f32 $-3.991999820e+01, v0;
	_ =	sdelay $0x1  }
0x40: {  	v0 =	vmul.f32 $5.555555340e+00, v0  }
0x41: {  	s31 =	simm.s32 $0x10  }
0x42: {  	v1 =	vld [tilespmem:s31+$0x0];
	[tilespmem:s3+$0x2480] =	vst v0  }
0x43: {  	v0 =	vld [tilespmem:s23+$0x0];
	_ =	sdelay $0x3  }
0x44: {  	v1 =	vadd.f32 $-1.163499980e+02, v1  }
0x45: {  	s17 =	simm.s32 $0x80  }
0x46: {  	s6 =	sand.u32 $0x70, s31;
	s11 =	sand.u32 $0x1C00, s17;
	v1 =	vmul.f32 $4.545454500e+00, v1  }
0x47: {  	s4 =	sor.u32 s6, s11  }
0x48: {  	s14 =	simm.s32 $0x410;
	[tilespmem:s4+$0x2400] =	vst v1;
	v2 =	vld.idx.msk [tilespmem:v0+s10+$0x0], $0xffff  }
0x49: {  	v1 =	vld [tilespmem:s14+$0x0];
	v4 =	vadd.s32 $0x80, v0;
	_ =	sdelay $0x3  }
0x4a: {  	v3 =	vld [tilespmem:s25+$0x0];
	[tilespmem:s3+$0x2500] =	vst v2  }
0x4b: {  	v1 =	vadd.f32 $-3.991999820e+01, v1;
	v2 =	vld.idx.msk [tilespmem:v4+s10+$0x0], $0xffff  }
0x4c: {  	v4 =	vadd.s32 $0x100, v0  }
0x4d: {  	v1 =	vmul.f32 $5.555555340e+00, v1  }
0x4e: {  	s11 =	simm.s32 $0x20  }
0x4f: {  	s16 =	simm.s32 $0x1410;
	v5 =	vld [tilespmem:s11+$0x0];
	[tilespmem:s4+$0x2480] =	vst v1  }
0x50: {  	[tilespmem:s3+$0x2580] =	vst v2;
	v2 =	vld [tilespmem:s16+$0x0]  }
0x51: {  	v1 =	vld.idx.msk [tilespmem:v4+s10+$0x0], $0xffff  }
0x52: {  	v4 =	vadd.s32 $0x180, v0;
	_ =	sdelay $0x2  }
0x53: {  	v5 =	vadd.f32 $-1.163499980e+02, v5  }
0x54: {  	s19 =	simm.s32 $0x100;
	[tilespmem:s3+$0x2600] =	vst v1  }
0x55: {  	s20 =	sand.u32 $0x1C00, s19;
	s18 =	sand.u32 $0x70, s11;
	v1 =	vld.idx.msk [tilespmem:v4+s10+$0x0], $0xffff;
	v4 =	vmul.f32 $4.545454500e+00, v5  }
0x56: {  	s6 =	sor.u32 s18, s20;
	v5 =	vadd.s32 $0x200, v0  }
0x57: {  	s21 =	simm.s32 $0x420;
	v6 =	vld.idx.msk [tilespmem:v2+s10+$0x0], $0xffff;
	[tilespmem:s6+$0x2400] =	vst v4  }
0x58: {  	v7 =	vadd.s32 $0x80, v2;
	v8 =	vld [tilespmem:s21+$0x0];
	_ =	sdelay $0x1  }
0x59: {  	[tilespmem:s3+$0x2680] =	vst v1  }
0x5a: {  	s22 =	simm.s32 $0x1810;
	v1 =	vld.idx.msk [tilespmem:v5+s10+$0x0], $0xffff  }
0x5b: {  	v4 =	vld [tilespmem:s22+$0x0];
	[tilespmem:s4+$0x2500] =	vst v6;
	v5 =	vadd.s32 $0x280, v0  }
0x5c: {  	v6 =	vld.idx.msk [tilespmem:v7+s10+$0x0], $0xffff;
	v7 =	vadd.f32 $-3.991999820e+01, v8  }
0x5d: {  	v8 =	vadd.s32 $0x100, v2  }
0x5e: {  	s15 =	simm.s32 $0x30;
	v7 =	vmul.f32 $5.555555340e+00, v7  }
0x5f: {  	v9 =	vld [tilespmem:s15+$0x0];
	[tilespmem:s3+$0x2700] =	vst v1  }
0x60: {  	s23 =	simm.s32 $0x1420;
	v1 =	vld.idx.msk [tilespmem:v5+s10+$0x0], $0xffff;
	[tilespmem:s6+$0x2480] =	vst v7  }
0x61: {  	[tilespmem:s4+$0x2580] =	vst v6;
	v6 =	vld [tilespmem:s23+$0x0]  }
0x62: {  	v7 =	vadd.s32 $0x300, v0;
	v5 =	vld.idx.msk [tilespmem:v8+s10+$0x0], $0xffff  }
0x63: {  	v8 =	vadd.s32 $0x180, v2  }
0x64: {  	s8 =	sor.u32 s8, s8  }
0x65: {  	s8 =	sor.u32 $0x380, s8  }
0x66: {  	[tilespmem:s8+$0x2400] =	vst v1  }
0x67: {  	[tilespmem:s4+$0x2600] =	vst v5;
	v1 =	vld.idx.msk [tilespmem:v7+s10+$0x0], $0xffff;
	v5 =	vadd.f32 $-1.163499980e+02, v9  }
0x68: {  	s16 =	simm.s32 $0x180;
	v7 =	vld.idx.msk [tilespmem:v8+s10+$0x0], $0xffff;
	v8 =	vadd.s32 $0x380, v0  }
0x69: {  	s24 =	sand.u32 $0x70, s15;
	s25 =	sand.u32 $0x1C00, s16;
	v10 =	vadd.s32 $0x200, v2;
	v5 =	vmul.f32 $4.545454500e+00, v5;
	v9 =	vld.idx.msk [tilespmem:v6+s10+$0x0], $0xffff  }
0x6a: {  	s18 =	simm.s32 $0x1820;
	s8 =	sor.u32 s24, s25;
	v11 =	vadd.s32 $0x80, v6  }
0x6b: {  	s26 =	simm.s32 $0x430;
	v0 =	vld [tilespmem:s18+$0x0];
	[tilespmem:s8+$0x2400] =	vst v5  }
0x6c: {  	[tilespmem:s3+$0x4400] =	vst v1;
	v1 =	vld [tilespmem:s26+$0x0]  }
0x6d: {  	v5 =	vld.idx.msk [tilespmem:v8+s10+$0x0], $0xffff;
	[tilespmem:s4+$0x2680] =	vst v7  }
0x6e: {  	v7 =	vld.idx.msk [tilespmem:v10+s10+$0x0], $0xffff;
	[tilespmem:s6+$0x2500] =	vst v9  }
0x6f: {  	v9 =	vadd.s32 $0x280, v2;
	v8 =	vld.idx.msk [tilespmem:v11+s10+$0x0], $0xffff  }
0x70: {  	v10 =	vadd.s32 $0x100, v6  }
0x71: {  	s14 =	simm.s32 $0x40;
	v1 =	vadd.f32 $-3.991999820e+01, v1  }
0x72: {  	v11 =	vld [tilespmem:s14+$0x0];
	[tilespmem:s3+$0x4480] =	vst v5  }
0x73: {  	v12 =	vld.idx.msk [tilespmem:v3+s7+$0x0], $0xffff;
	v1 =	vmul.f32 $5.555555340e+00, v1;
	[tilespmem:s4+$0x2700] =	vst v7  }
0x74: {  	v7 =	vld.idx.msk [tilespmem:v9+s10+$0x0], $0xffff;
	[tilespmem:s6+$0x2580] =	vst v8  }
0x75: {  	s29 =	simm.s32 $0x1430;
	v8 =	vadd.s32 $0x80, v3;
	[tilespmem:s8+$0x2480] =	vst v1;
	v1 =	vld.idx.msk [tilespmem:v10+s10+$0x0], $0xffff  }
0x76: {  	v9 =	vadd.s32 $0x300, v2;
	v5 =	vld [tilespmem:s29+$0x0]  }
0x77: {  	v10 =	vadd.s32 $0x180, v6  }
0x78: {  	s9 =	sor.u32 s17, s31  }
0x79: {  	s9 =	sor.u32 $0x380, s9;
	[tilespmem:s3+$0x4500] =	vst v12  }
0x7a: {  	[tilespmem:s9+$0x2400] =	vst v7;
	v7 =	vadd.f32 $-1.163499980e+02, v11;
	v8 =	vld.idx.msk [tilespmem:v8+s7+$0x0], $0xffff  }
0x7b: {  	s17 =	simm.s32 $0x200;
	v11 =	vadd.s32 $0x100, v3;
	v9 =	vld.idx.msk [tilespmem:v9+s10+$0x0], $0xffff;
	[tilespmem:s6+$0x2600] =	vst v1  }
0x7c: {  	s31 =	sand.u32 $0x70, s14;
	s20 =	sand.u32 $0x1C00, s17;
	v2 =	vadd.s32 $0x380, v2;
	v7 =	vmul.f32 $4.545454500e+00, v7;
	v10 =	vld.idx.msk [tilespmem:v10+s10+$0x0], $0xffff  }
0x7d: {  	v12 =	vadd.s32 $0x200, v6;
	s9 =	sor.u32 s31, s20  }
0x7e: {  	s20 =	simm.s32 $0x440;
	[tilespmem:s9+$0x2400] =	vst v7;
	v13 =	vld.idx.msk [tilespmem:v5+s10+$0x0], $0xffff  }
0x7f: {  	v7 =	vadd.s32 $0x80, v5;
	[tilespmem:s3+$0x4580] =	vst v8;
	v8 =	vld [tilespmem:s20+$0x0]  }
0x80: {  	[tilespmem:s4+$0x4400] =	vst v9;
	v9 =	vld.idx.msk [tilespmem:v11+s7+$0x0], $0xffff  }
0x81: {  	v2 =	vld.idx.msk [tilespmem:v2+s10+$0x0], $0xffff;
	[tilespmem:s6+$0x2680] =	vst v10;
	v10 =	vadd.s32 $0x180, v3  }
0x82: {  	s30 =	simm.s32 $0x1830;
	v11 =	vld.idx.msk [tilespmem:v12+s10+$0x0], $0xffff  }
0x83: {  	v1 =	vld [tilespmem:s30+$0x0];
	v12 =	vadd.s32 $0x280, v6;
	[tilespmem:s8+$0x2500] =	vst v13  }
0x84: {  	s18 =	simm.s32 $0x50;
	v7 =	vld.idx.msk [tilespmem:v7+s10+$0x0], $0xffff;
	v8 =	vadd.f32 $-3.991999820e+01, v8  }
0x85: {  	v14 =	vadd.s32 $0x100, v5;
	v13 =	vld [tilespmem:s18+$0x0];
	[tilespmem:s3+$0x4600] =	vst v9  }
0x86: {  	[tilespmem:s4+$0x4480] =	vst v2;
	v2 =	vld.idx.msk [tilespmem:v10+s7+$0x0], $0xffff;
	v8 =	vmul.f32 $5.555555340e+00, v8  }
0x87: {  	v9 =	vld.idx.msk [tilespmem:v4+s7+$0x0], $0xffff;
	v10 =	vadd.s32 $0x200, v3;
	[tilespmem:s6+$0x2700] =	vst v11  }
0x88: {  	s21 =	simm.s32 $0x1440;
	v11 =	vadd.s32 $0x80, v4;
	v15 =	vld.idx.msk [tilespmem:v12+s10+$0x0], $0xffff;
	[tilespmem:s9+$0x2480] =	vst v8  }
0x89: {  	[tilespmem:s8+$0x2580] =	vst v7;
	v12 =	vld [tilespmem:s21+$0x0]  }
0x8a: {  	v8 =	vadd.s32 $0x300, v6;
	v7 =	vld.idx.msk [tilespmem:v14+s10+$0x0], $0xffff  }
0x8b: {  	v14 =	vadd.s32 $0x180, v5;
	[tilespmem:s3+$0x4680] =	vst v2  }
0x8c: {  	s11 =	sor.u32 s19, s11;
	v13 =	vadd.f32 $-1.163499980e+02, v13;
	[tilespmem:s4+$0x4500] =	vst v9;
	v9 =	vld.idx.msk [tilespmem:v10+s7+$0x0], $0xffff  }
0x8d: {  	s11 =	sor.u32 $0x380, s11;
	s21 =	simm.s32 $0x280;
	v10 =	vld.idx.msk [tilespmem:v11+s7+$0x0], $0xffff  }
0x8e: {  	s23 =	sand.u32 $0x70, s18;
	v13 =	vmul.f32 $4.545454500e+00, v13;
	s24 =	sand.u32 $0x1C00, s21;
	v11 =	vadd.s32 $0x280, v3;
	[tilespmem:s11+$0x2400] =	vst v15  }
0x8f: {  	s11 =	sor.u32 s23, s24;
	[tilespmem:s8+$0x2600] =	vst v7;
	v7 =	vld.idx.msk [tilespmem:v8+s10+$0x0], $0xffff;
	v8 =	vadd.s32 $0x100, v4  }
0x90: {  	v6 =	vadd.s32 $0x380, v6;
	[tilespmem:s11+$0x2400] =	vst v13;
	v14 =	vld.idx.msk [tilespmem:v14+s10+$0x0], $0xffff  }
0x91: {  	s25 =	simm.s32 $0x450;
	v16 =	vadd.s32 $0x200, v5;
	v15 =	vld.idx.msk [tilespmem:v12+s10+$0x0], $0xffff;
	[tilespmem:s3+$0x4700] =	vst v9  }
0x92: {  	[tilespmem:s4+$0x4580] =	vst v10;
	v10 =	vld [tilespmem:s25+$0x0]  }
0x93: {  	v9 =	vld.idx.msk [tilespmem:v11+s7+$0x0], $0xffff;
	v11 =	vadd.s32 $0x80, v12  }
0x94: {  	v13 =	vadd.s32 $0x300, v3;
	[tilespmem:s6+$0x4400] =	vst v7;
	v7 =	vld.idx.msk [tilespmem:v8+s7+$0x0], $0xffff  }
0x95: {  	v8 =	vadd.s32 $0x180, v4;
	v6 =	vld.idx.msk [tilespmem:v6+s10+$0x0], $0xffff;
	[tilespmem:s8+$0x2680] =	vst v14  }
0x96: {  	s22 =	simm.s32 $0x1840;
	v14 =	vld.idx.msk [tilespmem:v16+s10+$0x0], $0xffff  }
0x97: {  	v2 =	vld [tilespmem:s22+$0x0];
	[tilespmem:s9+$0x2500] =	vst v15;
	v15 =	vadd.s32 $0x280, v5  }
0x98: {  	v10 =	vadd.f32 $-3.991999820e+01, v10;
	v11 =	vld.idx.msk [tilespmem:v11+s10+$0x0], $0xffff;
	[tilespmem:s3+$0x4780] =	vst v9  }
0x99: {  	v16 =	vadd.s32 $0x100, v12;
	v9 =	vld.idx.msk [tilespmem:v13+s7+$0x0], $0xffff;
	[tilespmem:s4+$0x4600] =	vst v7  }
0x9a: {  	v7 =	vmul.f32 $5.555555340e+00, v10;
	[tilespmem:s6+$0x4480] =	vst v6;
	v6 =	vld.idx.msk [tilespmem:v8+s7+$0x0], $0xffff  }
0x9b: {  	v10 =	vld.idx.msk [tilespmem:v0+s7+$0x0], $0xffff;
	[tilespmem:s8+$0x2700] =	vst v14;
	v14 =	vadd.s32 $0x200, v4  }
0x9c: {  	s26 =	simm.s32 $0x1450;
	v3 =	vadd.s32 $0x380, v3;
	[tilespmem:s11+$0x2480] =	vst v7;
	v15 =	vld.idx.msk [tilespmem:v15+s10+$0x0], $0xffff  }
0x9d: {  	v17 =	vadd.s32 $0x80, v0;
	[tilespmem:s9+$0x2580] =	vst v11;
	v8 =	vld [tilespmem:s26+$0x0]  }
0x9e: {  	s22 =	simm.s32 $0x60;
	v11 =	vadd.s32 $0x300, v5;
	v7 =	vld.idx.msk [tilespmem:v16+s10+$0x0], $0xffff;
	[tilespmem:s3+$0x6400] =	vst v9  }
0x9f: {  	v13 =	vld [tilespmem:s22+$0x0];
	v9 =	vadd.s32 $0x180, v12;
	[tilespmem:s4+$0x4680] =	vst v6  }
0xa0: {  	s15 =	sor.u32 s16, s15;
	[tilespmem:s6+$0x4500] =	vst v10;
	v10 =	vld.idx.msk [tilespmem:v14+s7+$0x0], $0xffff  }
0xa1: {  	s15 =	sor.u32 $0x380, s15;
	v16 =	vadd.s32 $0x280, v4;
	v6 =	vld.idx.msk [tilespmem:v3+s7+$0x0], $0xffff  }
0xa2: {  	v14 =	vld.idx.msk [tilespmem:v17+s7+$0x0], $0xffff;
	[tilespmem:s15+$0x2400] =	vst v15  }
0xa3: {  	[tilespmem:s9+$0x2600] =	vst v7;
	v7 =	vld.idx.msk [tilespmem:v11+s10+$0x0], $0xffff;
	v11 =	vadd.s32 $0x100, v0  }
0xa4: {  	v5 =	vadd.s32 $0x380, v5;
	v9 =	vld.idx.msk [tilespmem:v9+s10+$0x0], $0xffff  }
0xa5: {  	v13 =	vadd.f32 $-1.163499980e+02, v13;
	v15 =	vld.idx.msk [tilespmem:v8+s10+$0x0], $0xffff;
	[tilespmem:s4+$0x4700] =	vst v10  }
0xa6: {  	s23 =	simm.s32 $0x300;
	[tilespmem:s3+$0x6480] =	vst v6;
	v6 =	vadd.s32 $0x200, v12;
	v10 =	vld.idx.msk [tilespmem:v16+s7+$0x0], $0xffff  }
0xa7: {  	s30 =	sand.u32 $0x70, s22;
	s31 =	sand.u32 $0x1C00, s23;
	v13 =	vmul.f32 $4.545454500e+00, v13;
	[tilespmem:s6+$0x4580] =	vst v14;
	v16 =	vld [tilespmem:s12+$0x0]  }
0xa8: {  	v14 =	vadd.s32 $0x80, v8;
	s12 =	sor.u32 s30, s31;
	[tilespmem:s8+$0x4400] =	vst v7;
	v7 =	vld.idx.msk [tilespmem:v11+s7+$0x0], $0xffff  }
0xa9: {  	s16 =	simm.s32 $0x460;
	[tilespmem:s12+$0x2400] =	vst v13;
	v5 =	vld.idx.msk [tilespmem:v5+s10+$0x0], $0xffff  }
0xaa: {  	v17 =	vadd.s32 $0x300, v4;
	v11 =	vld [tilespmem:s16+$0x0];
	[tilespmem:s9+$0x2680] =	vst v9  }
0xab: {  	s29 =	simm.s32 $0x1850;
	v9 =	vadd.s32 $0x180, v0;
	v6 =	vld.idx.msk [tilespmem:v6+s10+$0x0], $0xffff  }
0xac: {  	v3 =	vld [tilespmem:s29+$0x0];
	[tilespmem:s11+$0x2500] =	vst v15  }
0xad: {  	s15 =	simm.s32 $0x70;
	v13 =	vld.idx.msk [tilespmem:v14+s10+$0x0], $0xffff;
	[tilespmem:s4+$0x4780] =	vst v10;
	v10 =	vadd.f32 $-1.250000000e+01, v16  }
0xae: {  	v14 =	vadd.s32 $0x280, v12;
	v16 =	vld [tilespmem:s15+$0x0];
	[tilespmem:s6+$0x4600] =	vst v7  }
0xaf: {  	v15 =	vld.idx.msk [tilespmem:v17+s7+$0x0], $0xffff;
	v17 =	vadd.s32 $0x100, v8;
	v7 =	vmul.f32 $1.075268830e-01, v10;
	[tilespmem:s8+$0x4480] =	vst v5  }
0xb0: {  	v10 =	vadd.f32 $-3.991999820e+01, v11;
	v5 =	vld.idx.msk [tilespmem:v9+s7+$0x0], $0xffff;
	[tilespmem:s9+$0x2700] =	vst v6  }
0xb1: {  	v9 =	vld.idx.msk [tilespmem:v1+s7+$0x0], $0xffff;
	v6 =	vadd.s32 $0x200, v0;
	[tilespmem:s3+$0x6500] =	vst v7  }
0xb2: {  	v4 =	vadd.s32 $0x380, v4;
	v7 =	vmul.f32 $5.555555340e+00, v10;
	v10 =	vld [tilespmem:s5+$0x0]  }
0xb3: {  	v18 =	vadd.s32 $0x80, v1;
	[tilespmem:s11+$0x2580] =	vst v13;
	v13 =	vld.idx.msk [tilespmem:v14+s10+$0x0], $0xffff  }
0xb4: {  	s19 =	simm.s32 $0x1460;
	[tilespmem:s12+$0x2480] =	vst v7;
	v7 =	vld.idx.msk [tilespmem:v17+s10+$0x0], $0xffff  }
0xb5: {  	v14 =	vadd.s32 $0x300, v12;
	v11 =	vld [tilespmem:s19+$0x0];
	[tilespmem:s6+$0x4680] =	vst v5  }
0xb6: {  	[tilespmem:s4+$0x6400] =	vst v15;
	v15 =	vadd.s32 $0x180, v8;
	v21 =	vld.idx.msk [tilespmem:v6+s7+$0x0], $0xffff  }
0xb7: {  	v23 =	vadd.s32 $0x280, v0;
	s14 =	sor.u32 s17, s14;
	v20 =	vld.idx.msk [tilespmem:v4+s7+$0x0], $0xffff;
	[tilespmem:s8+$0x4500] =	vst v9  }
0xb8: {  	s14 =	sor.u32 $0x380, s14;
	s20 =	simm.s32 $0x1860;
	v22 =	vld.idx.msk [tilespmem:v18+s7+$0x0], $0xffff;
	v4 =	vadd.f32 $-1.200000050e+00, v10  }
0xb9: {  	v10 =	vld [tilespmem:s20+$0x0];
	[tilespmem:s14+$0x2400] =	vst v13  }
0xba: {  	[tilespmem:s11+$0x2600] =	vst v7;
	v17 =	vld.idx.msk [tilespmem:v14+s10+$0x0], $0xffff;
	v4 =	vmul.f32 $1.250000000e+00, v4  }
0xbb: {  	v19 =	vld.idx.msk [tilespmem:v15+s10+$0x0], $0xffff;
	[tilespmem:s6+$0x4700] =	vst v21  }
0xbc: {  	v18 =	vadd.s32 $0x380, v12;
	v12 =	vadd.f32 $-1.163499980e+02, v16;
	v16 =	vadd.s32 $0x100, v1;
	[tilespmem:s3+$0x6580] =	vst v4;
	v14 =	vld.idx.msk [tilespmem:v23+s7+$0x0], $0xffff  }
0xbd: {  	s17 =	sor.u32 s23, s22;
	s22 =	simm.s32 $0x380;
	v5 =	vadd.s32 $0x300, v2;
	v9 =	vadd.s32 $0x300, v0;
	s14 =	simm.s32 $0x810;
	[tilespmem:s4+$0x6480] =	vst v20;
	v4 =	vld [tilespmem:s13+$0x0]  }
0xbe: {  	s18 =	sor.u32 s21, s18;
	s25 =	simm.s32 $0x80;
	s28 =	sand.u32 $0x1C00, s22;
	v6 =	vadd.s32 $0x300, v3;
	v7 =	vadd.s32 $0x300, v1;
	[tilespmem:s8+$0x4580] =	vst v22;
	v22 =	vmul.f32 $4.545454500e+00, v12;
	v12 =	vld [tilespmem:s14+$0x0]  }
0xbf: {  	s26 =	sand.u32 $0x70, s15;
	s21 =	sor.u32 s22, s15;
	v20 =	vadd.s32 $0x200, v8;
	v21 =	vadd.s32 $0x80, v11;
	v15 =	vld.idx.msk [tilespmem:v11+s10+$0x0], $0xffff;
	v13 =	vadd.s32 $0x300, v10;
	s13 =	simm.s32 $0x1010  }
.LBB2_1:
0xc0: {  	s26 =	sor.u32 s26, s28  }
0xc1: {  	[tilespmem:s9+$0x4400] =	vst v17;
	v16 =	vld.idx.msk [tilespmem:v16+s7+$0x0], $0xffff;
	s5 =	sadd.s32 $0x10, s5;
	s24 =	smov.u32 s25;
	s23 =	sadd.s32 $0x10, s25  }
0xc2: {  	p0 =	sne.s32 s25, $0x3F0;
	s16 =	sadd.s32 $0x10, s16;
	[tilespmem:s26+$0x2400] =	vst v22;
	v17 =	vld.idx.msk [tilespmem:v18+s10+$0x0], $0xffff;
	v4 =	vadd.f32 $-1.870000080e+01, v4  }
0xc3: {  	v18 =	vld [tilespmem:s16+$0x0];
	[tilespmem:s11+$0x2680] =	vst v19;
	v19 =	vadd.s32 $0x180, v1  }
0xc4: {  	[tilespmem:s12+$0x2500] =	vst v15;
	v15 =	vld.idx.msk [tilespmem:v20+s10+$0x0], $0xffff;
	v4 =	vmul.f32 $9.615384780e-02, v4  }
0xc5: {  	v20 =	vld.idx.msk [tilespmem:v21+s10+$0x0], $0xffff;
	v21 =	vadd.s32 $0x280, v8;
	[tilespmem:s6+$0x4780] =	vst v14;
	v12 =	vadd.f32 $-1.250000000e+01, v12  }
0xc6: {  	s15 =	sadd.s32 $0x10, s15;
	v14 =	vld.idx.msk [tilespmem:v9+s7+$0x0], $0xffff;
	[tilespmem:s3+$0x6600] =	vst v4;
	v9 =	vmovc v7;
	v7 =	vmov v5;
	v5 =	vmov v6;
	v6 =	vmov v13;
	s3 =	smov.u32 s4;
	s4 =	smov.u32 s6  }
0xc7: {  	v4 =	vadd.s32 $0x100, v11;
	s6 =	smov.u32 s8;
	v13 =	vld [tilespmem:s15+$0x0];
	[tilespmem:s8+$0x4600] =	vst v16;
	v12 =	vmul.f32 $1.075268830e-01, v12;
	s8 =	smov.u32 s9;
	s9 =	smov.u32 s11  }
0xc8: {  	s11 =	smov.u32 s12;
	s12 =	smov.u32 s26;
	v16 =	vadd.f32 $-3.991999820e+01, v18;
	[tilespmem:s8+$0x4480] =	vst v17;
	v17 =	vld.idx.msk [tilespmem:v19+s7+$0x0], $0xffff  }
0xc9: {  	v19 =	vadd.s32 $0x380, v0;
	v0 =	vmovc v1;
	v1 =	vmovc v2;
	v18 =	vld.idx.msk [tilespmem:v2+s7+$0x0], $0xffff;
	[tilespmem:s3+$0x6500] =	vst v12;
	v2 =	vmov v3;
	v3 =	vmov v10  }
0xca: {  	v12 =	vadd.s32 $0x80, v1;
	v10 =	vmul.f32 $5.555555340e+00, v16;
	[tilespmem:s9+$0x2700] =	vst v15;
	v15 =	vadd.s32 $0x200, v0;
	v16 =	vld [tilespmem:s5+$0x0]  }
0xcb: {  	[tilespmem:s11+$0x2580] =	vst v20;
	v20 =	vld.idx.msk [tilespmem:v21+s10+$0x0], $0xffff  }
0xcc: {  	s19 =	sadd.s32 $0x10, s19;
	v21 =	vadd.s32 $0x300, v8;
	[tilespmem:s12+$0x2480] =	vst v10;
	v4 =	vld.idx.msk [tilespmem:v4+s10+$0x0], $0xffff  }
0xcd: {  	v22 =	vld [tilespmem:s19+$0x0];
	[tilespmem:s4+$0x6400] =	vst v14  }
0xce: {  	v14 =	vadd.s32 $0x180, v11;
	[tilespmem:s6+$0x4680] =	vst v17;
	v23 =	vld.idx.msk [tilespmem:v19+s7+$0x0], $0xffff  }
0xcf: {  	s25 =	sor.u32 $0x380, s18;
	s18 =	smov.u32 s17;
	s17 =	smov.u32 s21;
	[tilespmem:s8+$0x4500] =	vst v18;
	v24 =	vld.idx.msk [tilespmem:v15+s7+$0x0], $0xffff;
	v15 =	vadd.f32 $-1.200000050e+00, v16  }
0xd0: {  	s20 =	sadd.s32 $0x10, s20;
	v12 =	vld.idx.msk [tilespmem:v12+s7+$0x0], $0xffff  }
0xd1: {  	s14 =	sadd.s32 $0x10, s14;
	v25 =	vadd.s32 $0x280, v0;
	v10 =	vld [tilespmem:s20+$0x0];
	[tilespmem:s25+$0x2400] =	vst v20;
	v15 =	vmul.f32 $1.250000000e+00, v15  }
0xd2: {  	[tilespmem:s11+$0x2600] =	vst v4;
	v17 =	vld.idx.msk [tilespmem:v21+s10+$0x0], $0xffff  }
.Ltmp0:
0xd3: {  	v18 =	vadd.s32 $0x380, v8;
	v16 =	vadd.s32 $0x100, v1;
	v8 =	vmovc v11;
	v11 =	vmov v22;
	v19 =	vld.idx.msk [tilespmem:v14+s10+$0x0], $0xffff;
	[tilespmem:s3+$0x6580] =	vst v15;
	(pc) =	sbr.rel @p0 .LBB2_1-.Ltmp0, $4  }
0xd4: {  	[tilespmem:s4+$0x6480] =	vst v23;
	v4 =	vld [tilespmem:s13+$0x0]  }
0xd5: {  	s22 =	sadd.s32 $0x80, s22;
	v20 =	vadd.s32 $0x200, v8;
	v21 =	vadd.f32 $-1.163499980e+02, v13;
	v15 =	vld.idx.msk [tilespmem:v22+s10+$0x0], $0xffff;
	[tilespmem:s6+$0x4700] =	vst v24  }
0xd6: {  	s28 =	sand.u32 $0x1C00, s22;
	s13 =	sadd.s32 $0x10, s13;
	v13 =	vadd.s32 $0x300, v10;
	[tilespmem:s8+$0x4580] =	vst v12;
	v14 =	vld.idx.msk [tilespmem:v25+s7+$0x0], $0xffff  }
0xd7: {  	s21 =	sor.u32 s22, s24;
	s26 =	sand.u32 $0x70, s24;
	s25 =	smov.u32 s23;
	v22 =	vmul.f32 $4.545454500e+00, v21;
	v21 =	vadd.s32 $0x80, v11;
	v12 =	vld [tilespmem:s14+$0x0]  }
0xd8: {  	s15 =	sor.u32 s26, s28  }
0xd9: {  	s16 =	sadd.s32 $0x10, s16;
	[tilespmem:s15+$0x2400] =	vst v22  }
0xda: {  	v22 =	vld [tilespmem:s16+$0x0];
	_ =	sdelay $0x4  }
0xdb: {  	v22 =	vadd.f32 $-3.991999820e+01, v22;
	_ =	sdelay $0x1  }
0xdc: {  	v22 =	vmul.f32 $5.555555340e+00, v22;
	_ =	sdelay $0x1  }
0xdd: {  	s30 =	sadd.s32 $0x10, s19;
	[tilespmem:s15+$0x2480] =	vst v22  }
0xde: {  	v22 =	vld [tilespmem:s30+$0x0];
	_ =	sdelay $0x7  }
0xdf: {  	v23 =	vld.idx.msk [tilespmem:v22+s10+$0x0], $0xffff  }
0xe0: {  	v24 =	vadd.s32 $0x80, v22;
	_ =	sdelay $0x1  }
0xe1: {  	[tilespmem:s12+$0x2500] =	vst v15  }
0xe2: {  	s31 =	sadd.s32 $0x10, s20;
	v21 =	vld.idx.msk [tilespmem:v21+s10+$0x0], $0xffff  }
0xe3: {  	v15 =	vld [tilespmem:s31+$0x0];
	[tilespmem:s15+$0x2500] =	vst v23  }
0xe4: {  	v55 =	vadd.s32 $0x100, v11;
	v24 =	vld.idx.msk [tilespmem:v24+s10+$0x0], $0xffff  }
0xe5: {  	v25 =	vadd.s32 $0x100, v22;
	_ =	sdelay $0x2  }
0xe6: {  	[tilespmem:s12+$0x2580] =	vst v21  }
0xe7: {  	v21 =	vld.idx.msk [tilespmem:v55+s10+$0x0], $0xffff;
	[tilespmem:s15+$0x2580] =	vst v24  }
0xe8: {  	v56 =	vadd.s32 $0x180, v11;
	v24 =	vld.idx.msk [tilespmem:v25+s10+$0x0], $0xffff  }
0xe9: {  	v57 =	vadd.s32 $0x180, v22;
	_ =	sdelay $0x2  }
0xea: {  	[tilespmem:s12+$0x2600] =	vst v21  }
0xeb: {  	v21 =	vld.idx.msk [tilespmem:v56+s10+$0x0], $0xffff;
	[tilespmem:s15+$0x2600] =	vst v24  }
0xec: {  	v58 =	vadd.s32 $0x200, v11;
	v24 =	vld.idx.msk [tilespmem:v57+s10+$0x0], $0xffff  }
0xed: {  	v59 =	vadd.s32 $0x200, v22;
	_ =	sdelay $0x1  }
0xee: {  	[tilespmem:s11+$0x2680] =	vst v19  }
0xef: {  	v19 =	vld.idx.msk [tilespmem:v20+s10+$0x0], $0xffff;
	[tilespmem:s12+$0x2680] =	vst v21  }
0xf0: {  	v60 =	vadd.s32 $0x280, v8;
	v21 =	vld.idx.msk [tilespmem:v58+s10+$0x0], $0xffff;
	[tilespmem:s15+$0x2680] =	vst v24  }
0xf1: {  	v61 =	vadd.s32 $0x280, v11;
	v24 =	vld.idx.msk [tilespmem:v59+s10+$0x0], $0xffff  }
0xf2: {  	v62 =	vadd.s32 $0x280, v22;
	_ =	sdelay $0x1  }
0xf3: {  	[tilespmem:s11+$0x2700] =	vst v19  }
0xf4: {  	v19 =	vld.idx.msk [tilespmem:v60+s10+$0x0], $0xffff;
	[tilespmem:s12+$0x2700] =	vst v21  }
0xf5: {  	v63 =	vadd.s32 $0x300, v8;
	v21 =	vld.idx.msk [tilespmem:v61+s10+$0x0], $0xffff;
	[tilespmem:s15+$0x2700] =	vst v24  }
0xf6: {  	v28 =	vadd.s32 $0x300, v11;
	v24 =	vld.idx.msk [tilespmem:v62+s10+$0x0], $0xffff  }
0xf7: {  	v29 =	vadd.s32 $0x300, v22  }
0xf8: {  	s19 =	sor.u32 $0x380, s18  }
0xf9: {  	s20 =	sor.u32 $0x380, s17;
	[tilespmem:s19+$0x2400] =	vst v19  }
0xfa: {  	s22 =	sor.u32 $0x380, s21;
	v19 =	vld.idx.msk [tilespmem:v63+s10+$0x0], $0xffff;
	[tilespmem:s20+$0x2400] =	vst v21  }
0xfb: {  	v30 =	vadd.s32 $0x380, v8;
	v31 =	vld.idx.msk [tilespmem:v28+s10+$0x0], $0xffff;
	[tilespmem:s22+$0x2400] =	vst v24  }
0xfc: {  	v32 =	vadd.s32 $0x380, v11;
	v33 =	vld.idx.msk [tilespmem:v29+s10+$0x0], $0xffff  }
0xfd: {  	v22 =	vadd.s32 $0x380, v22  }
0xfe: {  	[tilespmem:s9+$0x4400] =	vst v17  }
0xff: {  	v17 =	vld.idx.msk [tilespmem:v18+s10+$0x0], $0xffff;
	[tilespmem:s11+$0x4400] =	vst v19  }
0x100: {  	v8 =	vld.idx.msk [tilespmem:v30+s10+$0x0], $0xffff;
	[tilespmem:s12+$0x4400] =	vst v31  }
0x101: {  	v11 =	vld.idx.msk [tilespmem:v32+s10+$0x0], $0xffff;
	[tilespmem:s15+$0x4400] =	vst v33  }
0x102: {  	v34 =	vld.idx.msk [tilespmem:v22+s10+$0x0], $0xffff;
	_ =	sdelay $0x1  }
0x103: {  	[tilespmem:s9+$0x4480] =	vst v17  }
0x104: {  	v17 =	vld.idx.msk [tilespmem:v2+s7+$0x0], $0xffff;
	[tilespmem:s11+$0x4480] =	vst v8  }
0x105: {  	v35 =	vadd.s32 $0x80, v2;
	v19 =	vld.idx.msk [tilespmem:v3+s7+$0x0], $0xffff;
	[tilespmem:s12+$0x4480] =	vst v11  }
0x106: {  	v36 =	vadd.s32 $0x80, v3;
	v20 =	vld.idx.msk [tilespmem:v10+s7+$0x0], $0xffff;
	[tilespmem:s15+$0x4480] =	vst v34  }
0x107: {  	v37 =	vadd.s32 $0x80, v10;
	v21 =	vld.idx.msk [tilespmem:v15+s7+$0x0], $0xffff  }
0x108: {  	v38 =	vadd.s32 $0x80, v15  }
0x109: {  	[tilespmem:s9+$0x4500] =	vst v17  }
0x10a: {  	v8 =	vld.idx.msk [tilespmem:v35+s7+$0x0], $0xffff;
	[tilespmem:s11+$0x4500] =	vst v19  }
0x10b: {  	v39 =	vadd.s32 $0x100, v2;
	v11 =	vld.idx.msk [tilespmem:v36+s7+$0x0], $0xffff;
	[tilespmem:s12+$0x4500] =	vst v20  }
0x10c: {  	v40 =	vadd.s32 $0x100, v3;
	v18 =	vld.idx.msk [tilespmem:v37+s7+$0x0], $0xffff;
	[tilespmem:s15+$0x4500] =	vst v21  }
0x10d: {  	v41 =	vadd.s32 $0x100, v10;
	v21 =	vld.idx.msk [tilespmem:v38+s7+$0x0], $0xffff  }
0x10e: {  	v42 =	vadd.s32 $0x100, v15  }
0x10f: {  	v16 =	vld.idx.msk [tilespmem:v16+s7+$0x0], $0xffff;
	[tilespmem:s9+$0x4580] =	vst v8  }
0x110: {  	v43 =	vadd.s32 $0x180, v1;
	v17 =	vld.idx.msk [tilespmem:v39+s7+$0x0], $0xffff;
	[tilespmem:s11+$0x4580] =	vst v11  }
0x111: {  	v44 =	vadd.s32 $0x180, v2;
	v19 =	vld.idx.msk [tilespmem:v40+s7+$0x0], $0xffff;
	[tilespmem:s12+$0x4580] =	vst v18  }
0x112: {  	v45 =	vadd.s32 $0x180, v3;
	v20 =	vld.idx.msk [tilespmem:v41+s7+$0x0], $0xffff;
	[tilespmem:s15+$0x4580] =	vst v21  }
0x113: {  	v46 =	vadd.s32 $0x180, v10;
	v22 =	vld.idx.msk [tilespmem:v42+s7+$0x0], $0xffff  }
0x114: {  	[tilespmem:s8+$0x4600] =	vst v16;
	v47 =	vadd.s32 $0x180, v15  }
0x115: {  	v8 =	vld.idx.msk [tilespmem:v43+s7+$0x0], $0xffff;
	[tilespmem:s9+$0x4600] =	vst v17  }
0x116: {  	v48 =	vadd.s32 $0x200, v1;
	v11 =	vld.idx.msk [tilespmem:v44+s7+$0x0], $0xffff;
	[tilespmem:s11+$0x4600] =	vst v19  }
0x117: {  	v49 =	vadd.s32 $0x200, v2;
	v18 =	vld.idx.msk [tilespmem:v45+s7+$0x0], $0xffff;
	[tilespmem:s12+$0x4600] =	vst v20  }
0x118: {  	v50 =	vadd.s32 $0x200, v3;
	v21 =	vld.idx.msk [tilespmem:v46+s7+$0x0], $0xffff;
	[tilespmem:s15+$0x4600] =	vst v22  }
0x119: {  	v51 =	vadd.s32 $0x200, v10;
	v16 =	vld.idx.msk [tilespmem:v47+s7+$0x0], $0xffff  }
0x11a: {  	v52 =	vadd.s32 $0x200, v15;
	[tilespmem:s8+$0x4680] =	vst v8  }
0x11b: {  	v17 =	vld.idx.msk [tilespmem:v48+s7+$0x0], $0xffff;
	[tilespmem:s9+$0x4680] =	vst v11  }
0x11c: {  	v53 =	vadd.s32 $0x280, v1;
	v19 =	vld.idx.msk [tilespmem:v49+s7+$0x0], $0xffff;
	[tilespmem:s11+$0x4680] =	vst v18  }
0x11d: {  	v54 =	vadd.s32 $0x280, v2;
	v20 =	vld.idx.msk [tilespmem:v50+s7+$0x0], $0xffff;
	[tilespmem:s12+$0x4680] =	vst v21  }
0x11e: {  	v55 =	vadd.s32 $0x280, v3;
	v22 =	vld.idx.msk [tilespmem:v51+s7+$0x0], $0xffff;
	[tilespmem:s15+$0x4680] =	vst v16  }
0x11f: {  	v56 =	vadd.s32 $0x280, v10;
	v8 =	vld.idx.msk [tilespmem:v52+s7+$0x0], $0xffff  }
0x120: {  	v57 =	vadd.s32 $0x280, v15;
	[tilespmem:s8+$0x4700] =	vst v17  }
0x121: {  	v11 =	vld.idx.msk [tilespmem:v53+s7+$0x0], $0xffff;
	[tilespmem:s9+$0x4700] =	vst v19  }
0x122: {  	v18 =	vld.idx.msk [tilespmem:v54+s7+$0x0], $0xffff;
	[tilespmem:s11+$0x4700] =	vst v20  }
0x123: {  	v58 =	vld.idx.msk [tilespmem:v55+s7+$0x0], $0xffff;
	[tilespmem:s12+$0x4700] =	vst v22  }
0x124: {  	v16 =	vld.idx.msk [tilespmem:v56+s7+$0x0], $0xffff;
	[tilespmem:s15+$0x4700] =	vst v8  }
0x125: {  	[tilespmem:s6+$0x4780] =	vst v14;
	v8 =	vld.idx.msk [tilespmem:v57+s7+$0x0], $0xffff  }
0x126: {  	v9 =	vld.idx.msk [tilespmem:v9+s7+$0x0], $0xffff;
	v59 =	vadd.s32 $0x300, v15;
	[tilespmem:s8+$0x4780] =	vst v11  }
0x127: {  	v0 =	vadd.s32 $0x380, v0;
	v7 =	vld.idx.msk [tilespmem:v7+s7+$0x0], $0xffff;
	[tilespmem:s9+$0x4780] =	vst v18  }
0x128: {  	v60 =	vadd.s32 $0x380, v1;
	v5 =	vld.idx.msk [tilespmem:v5+s7+$0x0], $0xffff;
	[tilespmem:s11+$0x4780] =	vst v58  }
0x129: {  	v61 =	vadd.s32 $0x380, v2;
	v6 =	vld.idx.msk [tilespmem:v6+s7+$0x0], $0xffff;
	[tilespmem:s12+$0x4780] =	vst v16  }
0x12a: {  	v62 =	vadd.s32 $0x380, v3;
	v63 =	vld.idx.msk [tilespmem:v13+s7+$0x0], $0xffff;
	[tilespmem:s15+$0x4780] =	vst v8  }
0x12b: {  	[tilespmem:s6+$0x6400] =	vst v9;
	v13 =	vadd.s32 $0x380, v10;
	v14 =	vld.idx.msk [tilespmem:v59+s7+$0x0], $0xffff  }
0x12c: {  	v0 =	vld.idx.msk [tilespmem:v0+s7+$0x0], $0xffff;
	[tilespmem:s8+$0x6400] =	vst v7;
	v15 =	vadd.s32 $0x380, v15  }
0x12d: {  	v1 =	vld.idx.msk [tilespmem:v60+s7+$0x0], $0xffff;
	[tilespmem:s9+$0x6400] =	vst v5  }
0x12e: {  	v2 =	vld.idx.msk [tilespmem:v61+s7+$0x0], $0xffff;
	[tilespmem:s11+$0x6400] =	vst v6  }
0x12f: {  	v3 =	vld.idx.msk [tilespmem:v62+s7+$0x0], $0xffff;
	[tilespmem:s12+$0x6400] =	vst v63  }
0x130: {  	v16 =	vld.idx.msk [tilespmem:v13+s7+$0x0], $0xffff;
	[tilespmem:s15+$0x6400] =	vst v14  }
0x131: {  	s23 =	sadd.s32 $0x10, s14;
	[tilespmem:s6+$0x6480] =	vst v0;
	v17 =	vld.idx.msk [tilespmem:v15+s7+$0x0], $0xffff  }
0x132: {  	s24 =	sadd.s32 $0x10, s23;
	v18 =	vld [tilespmem:s23+$0x0];
	[tilespmem:s8+$0x6480] =	vst v1  }
0x133: {  	v1 =	vld [tilespmem:s24+$0x0];
	[tilespmem:s9+$0x6480] =	vst v2;
	s7 =	sadd.s32 $0x10, s24  }
0x134: {  	[tilespmem:s11+$0x6480] =	vst v3;
	v2 =	vld [tilespmem:s7+$0x0];
	s7 =	sadd.s32 $0x10, s7  }
0x135: {  	[tilespmem:s12+$0x6480] =	vst v16;
	v3 =	vld [tilespmem:s7+$0x0];
	s7 =	sadd.s32 $0x10, s7  }
0x136: {  	v19 =	vadd.f32 $-1.250000000e+01, v12;
	v20 =	vld [tilespmem:s7+$0x0];
	s7 =	sadd.s32 $0x10, s7;
	[tilespmem:s15+$0x6480] =	vst v17  }
0x137: {  	v21 =	vadd.f32 $-1.250000000e+01, v18;
	v22 =	vld [tilespmem:s7+$0x0]  }
0x138: {  	v5 =	vmul.f32 $1.075268830e-01, v19;
	v1 =	vadd.f32 $-1.250000000e+01, v1  }
0x139: {  	v0 =	vmul.f32 $1.075268830e-01, v21;
	v2 =	vadd.f32 $-1.250000000e+01, v2  }
0x13a: {  	s5 =	sadd.s32 $0x10, s5;
	[tilespmem:s4+$0x6500] =	vst v5;
	v1 =	vmul.f32 $1.075268830e-01, v1;
	v3 =	vadd.f32 $-1.250000000e+01, v3  }
0x13b: {  	v5 =	vld [tilespmem:s5+$0x0];
	s5 =	sadd.s32 $0x10, s5;
	[tilespmem:s6+$0x6500] =	vst v0;
	v23 =	vmul.f32 $1.075268830e-01, v2;
	v24 =	vadd.f32 $-1.250000000e+01, v20  }
0x13c: {  	[tilespmem:s8+$0x6500] =	vst v1;
	v25 =	vld [tilespmem:s5+$0x0];
	s5 =	sadd.s32 $0x10, s5;
	v26 =	vmul.f32 $1.075268830e-01, v3;
	v27 =	vadd.f32 $-1.250000000e+01, v22  }
0x13d: {  	v28 =	vld [tilespmem:s5+$0x0];
	s5 =	sadd.s32 $0x10, s5;
	[tilespmem:s9+$0x6500] =	vst v23;
	v29 =	vmul.f32 $1.075268830e-01, v24  }
0x13e: {  	v30 =	vld [tilespmem:s5+$0x0];
	s5 =	sadd.s32 $0x10, s5;
	[tilespmem:s11+$0x6500] =	vst v26;
	v31 =	vmul.f32 $1.075268830e-01, v27  }
0x13f: {  	v32 =	vld [tilespmem:s5+$0x0];
	s5 =	sadd.s32 $0x10, s5;
	[tilespmem:s12+$0x6500] =	vst v29  }
0x140: {  	v33 =	vadd.f32 $-1.200000050e+00, v5;
	v34 =	vld [tilespmem:s5+$0x0];
	s5 =	sadd.s32 $0x10, s5;
	[tilespmem:s15+$0x6500] =	vst v31  }
0x141: {  	v35 =	vadd.f32 $-1.200000050e+00, v25;
	v36 =	vld [tilespmem:s5+$0x0]  }
0x142: {  	v0 =	vmul.f32 $1.250000000e+00, v33;
	v6 =	vadd.f32 $-1.200000050e+00, v28  }
0x143: {  	v1 =	vmul.f32 $1.250000000e+00, v35;
	v2 =	vadd.f32 $-1.200000050e+00, v30  }
0x144: {  	[tilespmem:s4+$0x6580] =	vst v0;
	v37 =	vmul.f32 $1.250000000e+00, v6;
	v3 =	vadd.f32 $-1.200000050e+00, v32  }
0x145: {  	s25 =	sadd.s32 $0x10, s13;
	v38 =	vld [tilespmem:s13+$0x0];
	[tilespmem:s6+$0x6580] =	vst v1;
	v39 =	vmul.f32 $1.250000000e+00, v2;
	v40 =	vadd.f32 $-1.200000050e+00, v34  }
0x146: {  	v41 =	vld [tilespmem:s25+$0x0];
	[tilespmem:s8+$0x6580] =	vst v37;
	s5 =	sadd.s32 $0x10, s25;
	v42 =	vmul.f32 $1.250000000e+00, v3;
	v43 =	vadd.f32 $-1.200000050e+00, v36  }
0x147: {  	v44 =	vld [tilespmem:s5+$0x0];
	s5 =	sadd.s32 $0x10, s5;
	[tilespmem:s9+$0x6580] =	vst v39;
	v45 =	vmul.f32 $1.250000000e+00, v40  }
0x148: {  	v46 =	vld [tilespmem:s5+$0x0];
	s5 =	sadd.s32 $0x10, s5;
	[tilespmem:s11+$0x6580] =	vst v42;
	v47 =	vmul.f32 $1.250000000e+00, v43  }
0x149: {  	v48 =	vadd.f32 $-1.870000080e+01, v4;
	v49 =	vld [tilespmem:s5+$0x0];
	s5 =	sadd.s32 $0x10, s5;
	[tilespmem:s12+$0x6580] =	vst v45  }
0x14a: {  	v50 =	vadd.f32 $-1.870000080e+01, v38;
	v51 =	vld [tilespmem:s5+$0x0];
	s5 =	sadd.s32 $0x10, s5;
	[tilespmem:s15+$0x6580] =	vst v47  }
0x14b: {  	v52 =	vmul.f32 $9.615384780e-02, v48;
	v53 =	vadd.f32 $-1.870000080e+01, v41;
	v54 =	vld [tilespmem:s5+$0x0]  }
0x14c: {  	v1 =	vmul.f32 $9.615384780e-02, v50;
	v7 =	vadd.f32 $-1.870000080e+01, v44  }
0x14d: {  	[tilespmem:s3+$0x6600] =	vst v52;
	v55 =	vmul.f32 $9.615384780e-02, v53;
	v2 =	vadd.f32 $-1.870000080e+01, v46  }
0x14e: {  	[tilespmem:s4+$0x6600] =	vst v1;
	v56 =	vmul.f32 $9.615384780e-02, v7;
	v57 =	vadd.f32 $-1.870000080e+01, v49  }
0x14f: {  	[tilespmem:s6+$0x6600] =	vst v55;
	v58 =	vmul.f32 $9.615384780e-02, v2;
	v59 =	vadd.f32 $-1.870000080e+01, v51  }
0x150: {  	[tilespmem:s8+$0x6600] =	vst v56;
	v60 =	vmul.f32 $9.615384780e-02, v57;
	v61 =	vadd.f32 $-1.870000080e+01, v54  }
0x151: {  	[tilespmem:s9+$0x6600] =	vst v58;
	v62 =	vmul.f32 $9.615384780e-02, v59  }
0x152: {  	[tilespmem:s11+$0x6600] =	vst v60;
	v63 =	vmul.f32 $9.615384780e-02, v61  }
0x153: {  	s26 =	sshll.u32 s1, $0xA;
	s28 =	simm.s32 $0x2000;
	s29 =	simm.s32 $0x20000;
	[tilespmem:s12+$0x6600] =	vst v62  }
0x154: {  	s2 =	sadd.s32 s2, s26;
	s30 =	simm.s32 $0x2400;
	s31 =	simm.s32 $0x2;
	[tilespmem:s15+$0x6600] =	vst v63  }
0x155: {  	[hbm4b:s2+s28] =	stream.strided.scatter [tilespmem:s30], [sflag:$0x2], $0x6000, s29, s28, $0x38;
	[tilespmem:$0x8400] =	vst v63  }
0x156: {  	_ =	swait.ge [sflag:s31], $0x6000  }
0x157: {  	[sflag:s31] =	ssyncset.done $0x0  }
0x158: {  	[sflag:s31] =	ssyncadd.s32 $0xFFFFA000  }
0x159: {  	_ =	sfence.sel $0x180000  }
0x15a: {  	[bflag:$0x0] =	sbarrier.arrive $0xFFFF  }
0x15b: {  	p0 =	sne.s32 s1, $0x0;
	_ =	strace $0x90000047  }
0x15c: {  	s0 =	sadd.s32 @!p0 $0x100000, s0;
	[bflag:$0x2] =	sbarrier.arrive $0xFFFF  }
0x15d: {  	[sflag:s0] =	ssyncadd.tile.s32 @!p0 $0x1;
	_ =	shalt  }
.Lfunc_end2:
_tile_overlayer_lowered:
.L_overlay_start_2:
0x15e: {  	(tag) =	ssettag $0x2  }
0x15f: {  	s0 =	rddreg [dreg:$0x0];
	s2 =	stileid.u32  }
0x160: {  	s1 =	rddreg [dreg:$0x1];
	p0 =	sne.s32 s2, $0x0  }
0x161: {  	s3 =	rddreg [dreg:$0x2];
	[bflag:$0x3] =	sbarrier.arrive $0xFFFF;
	s2 =	simm.s32 @!p0 $0x1C02  }
0x162: {  	[timem:s3], [sflag:s2] =	dma.local @!p0 [hbm:s0], s1  }
0x163: {  	s0 =	simm.s32 @!p0 $0x2  }
0x164: {  	_ =	swait.ge @!p0 [sflag:s0], s1  }
0x165: {  	s1 =	ssub.s32 @!p0 $0x0, s1;
	[sflag:s0] =	ssyncset.done @!p0 $0x0  }
0x166: {  	[sflag:s0] =	ssyncadd.s32 @!p0 s1  }
0x167: {  	[bflag:$0x3] =	sbarrier.arrive $0xFFFF  }
0x168: {  	_ =	shalt  }

</sc_bundles>
